<compile_context>
chip_gen: v7x
topology: tpu7x:2x2x1
jax: 0.10.2.dev20260603
libtpu: 0.0.44.dev20260713+nightly
codegen_flags: <defaults>
</compile_context>

<pallas_src>
import functools

import jax
import jax.numpy as jnp
from jax import lax
from jax.experimental import pallas as pl
from jax.experimental.pallas import tpu as pltpu
from jax.experimental.pallas import tpu_sc as plsc

N_NODES = 10000
DIM = 128
N_EDGES = 320000
BN_EPS = 1e-5

NC, NS = 2, 16
NW = NC * NS
NPAD = 10240
RPT = NPAD // NS
EPT = N_EDGES // NW
K = 125
NCH = EPT // K
NHALF = NCH // 2


def _sc_mesh():
    return plsc.VectorSubcoreMesh(
        core_axis_name="c", subcore_axis_name="s", num_cores=NC, num_subcores=NS
    )



@functools.partial(
    pl.kernel,
    out_type=jax.ShapeDtypeStruct((NC, NPAD), jnp.float32),
    mesh=_sc_mesh(),
    scratch_types=[
        pltpu.VMEM((NCH, K), jnp.int32),
        pltpu.VMEM((128,), jnp.float32),
        pltpu.VMEM_SHARED((NPAD,), jnp.float32),
    ],
)
def _deg_kernel(dst_hbm, zero_hbm, out_hbm, idx_v, ones_v, acc):
    cid = lax.axis_index("c")
    sid = lax.axis_index("s")
    wid = cid * NS + sid
    pltpu.sync_copy(dst_hbm.at[wid], idx_v)
    for i in range(8):
        ones_v[pl.ds(i * 16, 16)] = jnp.ones((16,), jnp.float32)
    pltpu.sync_copy(zero_hbm.at[pl.ds(sid * RPT, RPT)], acc.at[pl.ds(sid * RPT, RPT)])
    plsc.subcore_barrier()

    def body(j, carry):
        pltpu.sync_copy(ones_v.at[pl.ds(0, K)], acc.at[idx_v.at[j]], add=True)
        return carry

    lax.fori_loop(0, NCH, body, 0)
    plsc.subcore_barrier()
    pltpu.sync_copy(acc.at[pl.ds(sid * RPT, RPT)], out_hbm.at[cid, pl.ds(sid * RPT, RPT)])



@functools.partial(
    pl.kernel,
    out_type=jax.ShapeDtypeStruct((NC, NPAD, DIM), jnp.float32),
    mesh=_sc_mesh(),
    scratch_types=[
        pltpu.VMEM((NHALF, K), jnp.int32),
        pltpu.VMEM((NHALF, K), jnp.int32),
        pltpu.VMEM((K, DIM), jnp.float32),
        pltpu.VMEM((K, DIM), jnp.float32),
        pltpu.SemaphoreType.DMA,
        pltpu.SemaphoreType.DMA,
        pltpu.VMEM_SHARED((NPAD, DIM), jnp.float32),
    ],
)
def _agg_kernel(
    y_hbm, src_hbm, dst_hbm, zero_hbm, out_hbm,
    sidx, didx, bufa, bufb, gsa, gsb, acc,
):
    cid = lax.axis_index("c")
    sid = lax.axis_index("s")
    wid = cid * NS + sid
    pltpu.sync_copy(
        zero_hbm.at[pl.ds(sid * RPT, RPT)], acc.at[pl.ds(sid * RPT, RPT)]
    )
    plsc.subcore_barrier()

    NT = NHALF // 2
    for h in range(2):
        pltpu.sync_copy(src_hbm.at[wid, pl.ds(h * NHALF, NHALF)], sidx)
        pltpu.sync_copy(dst_hbm.at[wid, pl.ds(h * NHALF, NHALF)], didx)
        pltpu.async_copy(y_hbm.at[sidx.at[0]], bufa, gsa)

        def body(t, carry):
            j0 = 2 * t
            j1 = j0 + 1
            pltpu.make_async_copy(y_hbm.at[sidx.at[j0]], bufa, gsa).wait()
            pltpu.async_copy(y_hbm.at[sidx.at[j1]], bufb, gsb)
            pltpu.sync_copy(bufa, acc.at[didx.at[j0]], add=True)
            pltpu.make_async_copy(y_hbm.at[sidx.at[j1]], bufb, gsb).wait()

            @pl.when(t + 1 < NT)
            def _prefetch():
                pltpu.async_copy(y_hbm.at[sidx.at[j0 + 2]], bufa, gsa)

            pltpu.sync_copy(bufb, acc.at[didx.at[j1]], add=True)
            return carry

        lax.fori_loop(0, NT, body, 0)
    plsc.subcore_barrier()
    pltpu.sync_copy(
        acc.at[pl.ds(sid * RPT, RPT)], out_hbm.at[cid, pl.ds(sid * RPT, RPT)]
    )



def _prep_body(x_ref, w_ref, degt_ref, y_ref):
    deg = degt_ref[:, 0:1] + degt_ref[:, 1:2] + 1.0
    dis = lax.rsqrt(deg)
    x_lin = jnp.dot(x_ref[...], w_ref[...], preferred_element_type=jnp.float32)
    y_ref[...] = x_lin * dis



def _post_body(aggp_ref, y_ref, degt_ref, x_ref, b_ref, g_ref, be_ref, o_ref):
    a = aggp_ref[0][: N_NODES, :] + aggp_ref[1][: N_NODES, :] + y_ref[: N_NODES, :]
    deg = degt_ref[: N_NODES, 0:1] + degt_ref[: N_NODES, 1:2] + 1.0
    dis = lax.rsqrt(deg)
    out = a * dis + b_ref[...]
    mean = jnp.mean(out, axis=0, keepdims=True)
    var = jnp.mean((out - mean) * (out - mean), axis=0, keepdims=True)
    bn = g_ref[...] * (out - mean) * lax.rsqrt(var + BN_EPS) + be_ref[...]
    o_ref[...] = jnp.maximum(bn, 0.0) + x_ref[...]


@jax.jit
def kernel(x, edge_index, W, b, gamma, beta):
    src = edge_index[0].astype(jnp.int32).reshape(NW, NCH, K)
    dst = edge_index[1].astype(jnp.int32).reshape(NW, NCH, K)
    x_pad = jnp.pad(x, ((0, NPAD - N_NODES), (0, 0)))
    zero_deg = jnp.zeros((NPAD,), jnp.float32)
    zero_rows = jnp.zeros((NPAD, DIM), jnp.float32)

    degp = _deg_kernel(dst, zero_deg)
    degt = degp.T

    y = pl.pallas_call(
        _prep_body,
        out_shape=jax.ShapeDtypeStruct((NPAD, DIM), jnp.float32),
    )(x_pad, W, degt)

    aggp = _agg_kernel(y, src, dst, zero_rows)

    out = pl.pallas_call(
        _post_body,
        out_shape=jax.ShapeDtypeStruct((N_NODES, DIM), jnp.float32),
    )(aggp, y, degt, x, b.reshape(1, DIM), gamma.reshape(1, DIM), beta.reshape(1, DIM))
    return out

# --- scband reference (transcript-rebuilt; emitter-appended) ---
"""Pipeline reference for scband-res-gcnblock-60498909331788 (READ-ONLY COPY).

The authoritative reference and input builder live on the scoring server;
editing this copy changes nothing except your own understanding.
"""

import jax, jax.numpy as jnp
import numpy as np

N_NODES = 10000
N_EDGES = 320000
DIM = 128
BN_EPS = 1e-5


def setup_inputs(seed: int = 0) -> dict:
    key = jax.random.key(seed)
    k_x, k_e, k_w, k_b = jax.random.split(key, 4)
    x = jax.random.normal(k_x, (N_NODES, DIM), dtype=jnp.float32)
    edge_index = jax.random.randint(k_e, (2, N_EDGES), 0, N_NODES, dtype=jnp.int64)
    # GCNConv linear weight (glorot) and bias (zeros)
    limit = float(np.sqrt(6.0 / (DIM + DIM)))
    W = jax.random.uniform(k_w, (DIM, DIM), dtype=jnp.float32, minval=-limit, maxval=limit)
    b = jnp.zeros((DIM,), dtype=jnp.float32)
    # BatchNorm1d affine params
    gamma = jnp.ones((DIM,), dtype=jnp.float32)
    beta = jnp.zeros((DIM,), dtype=jnp.float32)
    return {"x": x, "edge_index": edge_index, "W": W, "b": b, "gamma": gamma, "beta": beta}


def reference(x, edge_index, W, b, gamma, beta):
    N = x.shape[0]
    # --- GCNConv: add self-loops, symmetric normalization ---
    loop = jnp.arange(N, dtype=edge_index.dtype)
    src = jnp.concatenate([edge_index[0], loop])
    dst = jnp.concatenate([edge_index[1], loop])
    ew = jnp.ones((src.shape[0],), dtype=x.dtype)
    deg = jnp.zeros((N,), dtype=x.dtype).at[dst].add(ew)
    deg_inv_sqrt = jnp.where(deg > 0, jax.lax.rsqrt(jnp.maximum(deg, 1e-12)), 0.0)
    norm = deg_inv_sqrt[src] * deg_inv_sqrt[dst]
    # linear transform then propagate (gather src, scatter-add to dst)
    x_lin = x @ W
    msg = x_lin[src] * norm[:, None]
    out = jnp.zeros((N, x_lin.shape[1]), dtype=x.dtype).at[dst].add(msg)
    out = out + b
    # --- BatchNorm1d (training mode: batch statistics) ---
    mean = jnp.mean(out, axis=0)
    var = jnp.var(out, axis=0)
    bn = gamma * (out - mean) * jax.lax.rsqrt(var + BN_EPS) + beta
    # --- ReLU + residual ---
    return jax.nn.relu(bn) + x

if __name__ == "__main__":
    import jax
    _d = setup_inputs()
    print(jax.jit(kernel)(*tuple(_d.values())))

</pallas_src>

<mosaic_0001>
#map = affine_map<(d0, d1) -> (0, 0)>
#map1 = affine_map<(d0, d1) -> (0, 0, 0)>
module attributes {stable_mosaic.version = 14 : i64} {
  func.func @_agg_kernel(%arg0: i32, %arg1: i32, %arg2: memref<10240x128xf32, #tpu.memory_space<hbm>>, %arg3: memref<32x80x125xi32, #tpu.memory_space<hbm>>, %arg4: memref<32x80x125xi32, #tpu.memory_space<hbm>>, %arg5: memref<10240x128xf32, #tpu.memory_space<hbm>>, %arg6: memref<2x10240x128xf32, #tpu.memory_space<hbm>>, %arg7: memref<40x125xi32, #tpu.memory_space<vmem>>, %arg8: memref<40x125xi32, #tpu.memory_space<vmem>>, %arg9: memref<125x128xf32, #tpu.memory_space<vmem>>, %arg10: memref<125x128xf32, #tpu.memory_space<vmem>>, %arg11: memref<!tpu.dma_semaphore, #tpu.memory_space<semaphore_mem>>, %arg12: memref<!tpu.dma_semaphore, #tpu.memory_space<semaphore_mem>>, %arg13: memref<10240x128xf32, #tpu.memory_space<vmem_shared>>) attributes {dimension_semantics = [#tpu.dimension_semantics<core_parallel>, #tpu.dimension_semantics<subcore_parallel>], iteration_bounds = array<i64: 2, 16>, scalar_prefetch = 0 : i64, scratch_operands = 7 : i64, tpu.core_type = #tpu.core_type<sc_vector_subcore>, window_params = [{transform_indices = #map}, {transform_indices = #map1}, {transform_indices = #map1}, {transform_indices = #map}, {transform_indices = #map1}]} {
    %mul3A = arith.constant 16 : i32
    %mul3A_0 = arith.muli %arg0, %mul3A : i32
    %add3A = arith.addi %mul3A_0, %arg1 : i32
    %mul3A_1 = arith.constant 640 : i32
    %mul3A_2 = arith.muli %arg1, %mul3A_1 : i32
    %mul3A_3 = arith.constant 640 : i32
    %mul3A_4 = arith.muli %arg1, %mul3A_3 : i32
    "tpu.region"() ({
      %run_scoped3A = tpu.sem_alloc : memref<!tpu.dma_semaphore, #tpu.memory_space<semaphore_mem>>
      %dma_start3A_34 = arith.constant 0 : i32
      %dma_start3A_35 = tpu.memref_slice %arg13[%mul3A_4, %dma_start3A_34] : memref<10240x128xf32, #tpu.memory_space<vmem_shared>> -> memref<640x128xf32, #tpu.memory_space<vmem_shared>>
      %dma_start3A_36 = arith.constant 0 : i32
      %dma_start3A_37 = tpu.memref_slice %arg5[%mul3A_2, %dma_start3A_36] : memref<10240x128xf32, #tpu.memory_space<hbm>> -> memref<640x128xf32, #tpu.memory_space<hbm>>
      tpu.enqueue_dma source(%dma_start3A_37 : memref<640x128xf32, #tpu.memory_space<hbm>>) target(%dma_start3A_35 : memref<640x128xf32, #tpu.memory_space<vmem_shared>>) target_semaphore(%run_scoped3A : memref<!tpu.dma_semaphore, #tpu.memory_space<semaphore_mem>>)
      %dma_wait3A = arith.constant 0 : i32
      %dma_wait3A_38 = tpu.memref_slice %arg13[%mul3A_4, %dma_wait3A] : memref<10240x128xf32, #tpu.memory_space<vmem_shared>> -> memref<640x128xf32, #tpu.memory_space<vmem_shared>>
      %dma_wait3A_39 = arith.constant 0 : i32
      %dma_wait3A_40 = tpu.memref_slice %arg5[%mul3A_2, %dma_wait3A_39] : memref<10240x128xf32, #tpu.memory_space<hbm>> -> memref<640x128xf32, #tpu.memory_space<hbm>>
      tpu.wait_dma2 semaphore(%run_scoped3A : memref<!tpu.dma_semaphore, #tpu.memory_space<semaphore_mem>>) src(%dma_wait3A_40 : memref<640x128xf32, #tpu.memory_space<hbm>>) dst(%dma_wait3A_38 : memref<640x128xf32, #tpu.memory_space<vmem_shared>>)
      tpu.yield
    }) : () -> ()
    %barrier3A = arith.constant 0 : index
    tpu.barrier barrier_id(%barrier3A)
    "tpu.region"() ({
      %run_scoped3A = tpu.sem_alloc : memref<!tpu.dma_semaphore, #tpu.memory_space<semaphore_mem>>
      %dma_start3A_34 = arith.constant 0 : i32
      %dma_start3A_35 = arith.constant 0 : i32
      %dma_start3A_36 = tpu.memref_slice %arg3[%add3A, %dma_start3A_34, %dma_start3A_35] : memref<32x80x125xi32, #tpu.memory_space<hbm>> -> memref<1x40x125xi32, #tpu.memory_space<hbm>>
      %dma_start3A_37 = tpu.memref_squeeze %dma_start3A_36 : memref<1x40x125xi32, #tpu.memory_space<hbm>> -> memref<40x125xi32, #tpu.memory_space<hbm>>
      %dma_start3A_38 = arith.constant 0 : i32
      %dma_start3A_39 = arith.constant 0 : i32
      %dma_start3A_40 = tpu.memref_slice %arg3[%add3A, %dma_start3A_38, %dma_start3A_39] : memref<32x80x125xi32, #tpu.memory_space<hbm>> -> memref<1x40x125xi32, #tpu.memory_space<hbm>>
      %dma_start3A_41 = tpu.memref_squeeze %dma_start3A_40 : memref<1x40x125xi32, #tpu.memory_space<hbm>> -> memref<40x125xi32, #tpu.memory_space<hbm>>
      tpu.enqueue_dma source(%dma_start3A_41 : memref<40x125xi32, #tpu.memory_space<hbm>>) target(%arg7 : memref<40x125xi32, #tpu.memory_space<vmem>>) target_semaphore(%run_scoped3A : memref<!tpu.dma_semaphore, #tpu.memory_space<semaphore_mem>>)
      %dma_wait3A = arith.constant 0 : i32
      %dma_wait3A_42 = arith.constant 0 : i32
      %dma_wait3A_43 = tpu.memref_slice %arg3[%add3A, %dma_wait3A, %dma_wait3A_42] : memref<32x80x125xi32, #tpu.memory_space<hbm>> -> memref<1x40x125xi32, #tpu.memory_space<hbm>>
      %dma_wait3A_44 = tpu.memref_squeeze %dma_wait3A_43 : memref<1x40x125xi32, #tpu.memory_space<hbm>> -> memref<40x125xi32, #tpu.memory_space<hbm>>
      %dma_wait3A_45 = arith.constant 0 : i32
      %dma_wait3A_46 = arith.constant 0 : i32
      %dma_wait3A_47 = tpu.memref_slice %arg3[%add3A, %dma_wait3A_45, %dma_wait3A_46] : memref<32x80x125xi32, #tpu.memory_space<hbm>> -> memref<1x40x125xi32, #tpu.memory_space<hbm>>
      %dma_wait3A_48 = tpu.memref_squeeze %dma_wait3A_47 : memref<1x40x125xi32, #tpu.memory_space<hbm>> -> memref<40x125xi32, #tpu.memory_space<hbm>>
      tpu.wait_dma2 semaphore(%run_scoped3A : memref<!tpu.dma_semaphore, #tpu.memory_space<semaphore_mem>>) src(%dma_wait3A_48 : memref<40x125xi32, #tpu.memory_space<hbm>>) dst(%arg7 : memref<40x125xi32, #tpu.memory_space<vmem>>)
      tpu.yield
    }) : () -> ()
    "tpu.region"() ({
      %run_scoped3A = tpu.sem_alloc : memref<!tpu.dma_semaphore, #tpu.memory_space<semaphore_mem>>
      %dma_start3A_34 = arith.constant 0 : i32
      %dma_start3A_35 = arith.constant 0 : i32
      %dma_start3A_36 = tpu.memref_slice %arg4[%add3A, %dma_start3A_34, %dma_start3A_35] : memref<32x80x125xi32, #tpu.memory_space<hbm>> -> memref<1x40x125xi32, #tpu.memory_space<hbm>>
      %dma_start3A_37 = tpu.memref_squeeze %dma_start3A_36 : memref<1x40x125xi32, #tpu.memory_space<hbm>> -> memref<40x125xi32, #tpu.memory_space<hbm>>
      %dma_start3A_38 = arith.constant 0 : i32
      %dma_start3A_39 = arith.constant 0 : i32
      %dma_start3A_40 = tpu.memref_slice %arg4[%add3A, %dma_start3A_38, %dma_start3A_39] : memref<32x80x125xi32, #tpu.memory_space<hbm>> -> memref<1x40x125xi32, #tpu.memory_space<hbm>>
      %dma_start3A_41 = tpu.memref_squeeze %dma_start3A_40 : memref<1x40x125xi32, #tpu.memory_space<hbm>> -> memref<40x125xi32, #tpu.memory_space<hbm>>
      tpu.enqueue_dma source(%dma_start3A_41 : memref<40x125xi32, #tpu.memory_space<hbm>>) target(%arg8 : memref<40x125xi32, #tpu.memory_space<vmem>>) target_semaphore(%run_scoped3A : memref<!tpu.dma_semaphore, #tpu.memory_space<semaphore_mem>>)
      %dma_wait3A = arith.constant 0 : i32
      %dma_wait3A_42 = arith.constant 0 : i32
      %dma_wait3A_43 = tpu.memref_slice %arg4[%add3A, %dma_wait3A, %dma_wait3A_42] : memref<32x80x125xi32, #tpu.memory_space<hbm>> -> memref<1x40x125xi32, #tpu.memory_space<hbm>>
      %dma_wait3A_44 = tpu.memref_squeeze %dma_wait3A_43 : memref<1x40x125xi32, #tpu.memory_space<hbm>> -> memref<40x125xi32, #tpu.memory_space<hbm>>
      %dma_wait3A_45 = arith.constant 0 : i32
      %dma_wait3A_46 = arith.constant 0 : i32
      %dma_wait3A_47 = tpu.memref_slice %arg4[%add3A, %dma_wait3A_45, %dma_wait3A_46] : memref<32x80x125xi32, #tpu.memory_space<hbm>> -> memref<1x40x125xi32, #tpu.memory_space<hbm>>
      %dma_wait3A_48 = tpu.memref_squeeze %dma_wait3A_47 : memref<1x40x125xi32, #tpu.memory_space<hbm>> -> memref<40x125xi32, #tpu.memory_space<hbm>>
      tpu.wait_dma2 semaphore(%run_scoped3A : memref<!tpu.dma_semaphore, #tpu.memory_space<semaphore_mem>>) src(%dma_wait3A_48 : memref<40x125xi32, #tpu.memory_space<hbm>>) dst(%arg8 : memref<40x125xi32, #tpu.memory_space<vmem>>)
      tpu.yield
    }) : () -> ()
    %dma_start3A = arith.constant 0 : i32
    %dma_start3A_5 = arith.constant 0 : i32
    %dma_start3A_6 = tpu.memref_slice %arg7[%dma_start3A, %dma_start3A_5] : memref<40x125xi32, #tpu.memory_space<vmem>> -> memref<1x125xi32, #tpu.memory_space<vmem>>
    %dma_start3A_7 = tpu.memref_squeeze %dma_start3A_6 : memref<1x125xi32, #tpu.memory_space<vmem>> -> memref<125xi32, #tpu.memory_space<vmem>>
    %dma_start3A_8 = arith.constant 0 : i32
    %dma_start3A_9 = arith.constant 0 : i32
    %dma_start3A_10 = tpu.memref_slice %arg2[%dma_start3A_8, %dma_start3A_9] : memref<10240x128xf32, #tpu.memory_space<hbm>> -> memref<10240x128xf32, #tpu.memory_space<hbm>>
    tpu.enqueue_indirect_dma source(%dma_start3A_10 : memref<10240x128xf32, #tpu.memory_space<hbm>>) target(%arg9 : memref<125x128xf32, #tpu.memory_space<vmem>>) offsets(%dma_start3A_7 : memref<125xi32, #tpu.memory_space<vmem>>) semaphore(%arg11 : memref<!tpu.dma_semaphore, #tpu.memory_space<semaphore_mem>>)
    %scan3A = arith.constant 0 : i32
    %scan3A_11 = arith.constant 0 : i32
    %scan3A_12 = arith.constant 20 : i32
    %scan3A_13 = arith.addi %scan3A_11, %scan3A_12 : i32
    %scan3A_14 = arith.constant 1 : i32
    scf.for %scan3A_34 = %scan3A_11 to %scan3A_13 step %scan3A_14  : i32 {
      %mul3A_35 = arith.constant 2 : i32
      %mul3A_36 = arith.muli %mul3A_35, %scan3A_34 : i32
      %add3A_37 = arith.constant 1 : i32
      %add3A_38 = arith.addi %mul3A_36, %add3A_37 : i32
      %dma_wait3A = arith.constant 0 : i32
      %dma_wait3A_39 = tpu.memref_slice %arg7[%mul3A_36, %dma_wait3A] : memref<40x125xi32, #tpu.memory_space<vmem>> -> memref<1x125xi32, #tpu.memory_space<vmem>>
      %dma_wait3A_40 = tpu.memref_squeeze %dma_wait3A_39 : memref<1x125xi32, #tpu.memory_space<vmem>> -> memref<125xi32, #tpu.memory_space<vmem>>
      %dma_wait3A_41 = arith.constant 0 : i32
      %dma_wait3A_42 = arith.constant 0 : i32
      %dma_wait3A_43 = tpu.memref_slice %arg2[%dma_wait3A_41, %dma_wait3A_42] : memref<10240x128xf32, #tpu.memory_space<hbm>> -> memref<10240x128xf32, #tpu.memory_space<hbm>>
      tpu.wait_indirect_dma semaphore(%arg11 : memref<!tpu.dma_semaphore, #tpu.memory_space<semaphore_mem>>) src(%dma_wait3A_43 : memref<10240x128xf32, #tpu.memory_space<hbm>>) dst(%arg9 : memref<125x128xf32, #tpu.memory_space<vmem>>)
      %dma_start3A_44 = arith.constant 0 : i32
      %dma_start3A_45 = tpu.memref_slice %arg7[%add3A_38, %dma_start3A_44] : memref<40x125xi32, #tpu.memory_space<vmem>> -> memref<1x125xi32, #tpu.memory_space<vmem>>
      %dma_start3A_46 = tpu.memref_squeeze %dma_start3A_45 : memref<1x125xi32, #tpu.memory_space<vmem>> -> memref<125xi32, #tpu.memory_space<vmem>>
      %dma_start3A_47 = arith.constant 0 : i32
      %dma_start3A_48 = arith.constant 0 : i32
      %dma_start3A_49 = tpu.memref_slice %arg2[%dma_start3A_47, %dma_start3A_48] : memref<10240x128xf32, #tpu.memory_space<hbm>> -> memref<10240x128xf32, #tpu.memory_space<hbm>>
      tpu.enqueue_indirect_dma source(%dma_start3A_49 : memref<10240x128xf32, #tpu.memory_space<hbm>>) target(%arg10 : memref<125x128xf32, #tpu.memory_space<vmem>>) offsets(%dma_start3A_46 : memref<125xi32, #tpu.memory_space<vmem>>) semaphore(%arg12 : memref<!tpu.dma_semaphore, #tpu.memory_space<semaphore_mem>>)
      "tpu.region"() ({
        %run_scoped3A = tpu.sem_alloc : memref<!tpu.dma_semaphore, #tpu.memory_space<semaphore_mem>>
        %dma_start3A_60 = arith.constant 0 : i32
        %dma_start3A_61 = tpu.memref_slice %arg8[%mul3A_36, %dma_start3A_60] : memref<40x125xi32, #tpu.memory_space<vmem>> -> memref<1x125xi32, #tpu.memory_space<vmem>>
        %dma_start3A_62 = tpu.memref_squeeze %dma_start3A_61 : memref<1x125xi32, #tpu.memory_space<vmem>> -> memref<125xi32, #tpu.memory_space<vmem>>
        %dma_start3A_63 = arith.constant 0 : i32
        %dma_start3A_64 = arith.constant 0 : i32
        %dma_start3A_65 = tpu.memref_slice %arg13[%dma_start3A_63, %dma_start3A_64] : memref<10240x128xf32, #tpu.memory_space<vmem_shared>> -> memref<10240x128xf32, #tpu.memory_space<vmem_shared>>
        tpu.enqueue_indirect_dma source(%arg9 : memref<125x128xf32, #tpu.memory_space<vmem>>) target(%dma_start3A_65 : memref<10240x128xf32, #tpu.memory_space<vmem_shared>>) offsets(%dma_start3A_62 : memref<125xi32, #tpu.memory_space<vmem>>) semaphore(%run_scoped3A : memref<!tpu.dma_semaphore, #tpu.memory_space<semaphore_mem>>) {add = true}
        %dma_wait3A_66 = arith.constant 0 : i32
        %dma_wait3A_67 = tpu.memref_slice %arg8[%mul3A_36, %dma_wait3A_66] : memref<40x125xi32, #tpu.memory_space<vmem>> -> memref<1x125xi32, #tpu.memory_space<vmem>>
        %dma_wait3A_68 = tpu.memref_squeeze %dma_wait3A_67 : memref<1x125xi32, #tpu.memory_space<vmem>> -> memref<125xi32, #tpu.memory_space<vmem>>
        %dma_wait3A_69 = arith.constant 0 : i32
        %dma_wait3A_70 = arith.constant 0 : i32
        %dma_wait3A_71 = tpu.memref_slice %arg13[%dma_wait3A_69, %dma_wait3A_70] : memref<10240x128xf32, #tpu.memory_space<vmem_shared>> -> memref<10240x128xf32, #tpu.memory_space<vmem_shared>>
        tpu.wait_indirect_dma semaphore(%run_scoped3A : memref<!tpu.dma_semaphore, #tpu.memory_space<semaphore_mem>>) src(%arg9 : memref<125x128xf32, #tpu.memory_space<vmem>>) dst(%dma_wait3A_71 : memref<10240x128xf32, #tpu.memory_space<vmem_shared>>)
        tpu.yield
      }) : () -> ()
      %dma_wait3A_50 = arith.constant 0 : i32
      %dma_wait3A_51 = tpu.memref_slice %arg7[%add3A_38, %dma_wait3A_50] : memref<40x125xi32, #tpu.memory_space<vmem>> -> memref<1x125xi32, #tpu.memory_space<vmem>>
      %dma_wait3A_52 = tpu.memref_squeeze %dma_wait3A_51 : memref<1x125xi32, #tpu.memory_space<vmem>> -> memref<125xi32, #tpu.memory_space<vmem>>
      %dma_wait3A_53 = arith.constant 0 : i32
      %dma_wait3A_54 = arith.constant 0 : i32
      %dma_wait3A_55 = tpu.memref_slice %arg2[%dma_wait3A_53, %dma_wait3A_54] : memref<10240x128xf32, #tpu.memory_space<hbm>> -> memref<10240x128xf32, #tpu.memory_space<hbm>>
      tpu.wait_indirect_dma semaphore(%arg12 : memref<!tpu.dma_semaphore, #tpu.memory_space<semaphore_mem>>) src(%dma_wait3A_55 : memref<10240x128xf32, #tpu.memory_space<hbm>>) dst(%arg10 : memref<125x128xf32, #tpu.memory_space<vmem>>)
      %add3A_56 = arith.constant 1 : i32
      %add3A_57 = arith.addi %scan3A_34, %add3A_56 : i32
      %lt3A = arith.constant 20 : i32
      %lt3A_58 = arith.cmpi slt, %add3A_57, %lt3A : i32
      %convert_element_type3A = arith.extui %lt3A_58 : i1 to i32
      %cond3A = arith.constant 0 : i32
      %cond3A_59 = arith.cmpi ne, %convert_element_type3A, %cond3A : i32
      scf.if %cond3A_59 {
        %add3A_60 = arith.constant 2 : i32
        %add3A_61 = arith.addi %mul3A_36, %add3A_60 : i32
        %dma_start3A_62 = arith.constant 0 : i32
        %dma_start3A_63 = tpu.memref_slice %arg7[%add3A_61, %dma_start3A_62] : memref<40x125xi32, #tpu.memory_space<vmem>> -> memref<1x125xi32, #tpu.memory_space<vmem>>
        %dma_start3A_64 = tpu.memref_squeeze %dma_start3A_63 : memref<1x125xi32, #tpu.memory_space<vmem>> -> memref<125xi32, #tpu.memory_space<vmem>>
        %dma_start3A_65 = arith.constant 0 : i32
        %dma_start3A_66 = arith.constant 0 : i32
        %dma_start3A_67 = tpu.memref_slice %arg2[%dma_start3A_65, %dma_start3A_66] : memref<10240x128xf32, #tpu.memory_space<hbm>> -> memref<10240x128xf32, #tpu.memory_space<hbm>>
        tpu.enqueue_indirect_dma source(%dma_start3A_67 : memref<10240x128xf32, #tpu.memory_space<hbm>>) target(%arg9 : memref<125x128xf32, #tpu.memory_space<vmem>>) offsets(%dma_start3A_64 : memref<125xi32, #tpu.memory_space<vmem>>) semaphore(%arg11 : memref<!tpu.dma_semaphore, #tpu.memory_space<semaphore_mem>>)
      } else {
      }
      "tpu.region"() ({
        %run_scoped3A = tpu.sem_alloc : memref<!tpu.dma_semaphore, #tpu.memory_space<semaphore_mem>>
        %dma_start3A_60 = arith.constant 0 : i32
        %dma_start3A_61 = tpu.memref_slice %arg8[%add3A_38, %dma_start3A_60] : memref<40x125xi32, #tpu.memory_space<vmem>> -> memref<1x125xi32, #tpu.memory_space<vmem>>
        %dma_start3A_62 = tpu.memref_squeeze %dma_start3A_61 : memref<1x125xi32, #tpu.memory_space<vmem>> -> memref<125xi32, #tpu.memory_space<vmem>>
        %dma_start3A_63 = arith.constant 0 : i32
        %dma_start3A_64 = arith.constant 0 : i32
        %dma_start3A_65 = tpu.memref_slice %arg13[%dma_start3A_63, %dma_start3A_64] : memref<10240x128xf32, #tpu.memory_space<vmem_shared>> -> memref<10240x128xf32, #tpu.memory_space<vmem_shared>>
        tpu.enqueue_indirect_dma source(%arg10 : memref<125x128xf32, #tpu.memory_space<vmem>>) target(%dma_start3A_65 : memref<10240x128xf32, #tpu.memory_space<vmem_shared>>) offsets(%dma_start3A_62 : memref<125xi32, #tpu.memory_space<vmem>>) semaphore(%run_scoped3A : memref<!tpu.dma_semaphore, #tpu.memory_space<semaphore_mem>>) {add = true}
        %dma_wait3A_66 = arith.constant 0 : i32
        %dma_wait3A_67 = tpu.memref_slice %arg8[%add3A_38, %dma_wait3A_66] : memref<40x125xi32, #tpu.memory_space<vmem>> -> memref<1x125xi32, #tpu.memory_space<vmem>>
        %dma_wait3A_68 = tpu.memref_squeeze %dma_wait3A_67 : memref<1x125xi32, #tpu.memory_space<vmem>> -> memref<125xi32, #tpu.memory_space<vmem>>
        %dma_wait3A_69 = arith.constant 0 : i32
        %dma_wait3A_70 = arith.constant 0 : i32
        %dma_wait3A_71 = tpu.memref_slice %arg13[%dma_wait3A_69, %dma_wait3A_70] : memref<10240x128xf32, #tpu.memory_space<vmem_shared>> -> memref<10240x128xf32, #tpu.memory_space<vmem_shared>>
        tpu.wait_indirect_dma semaphore(%run_scoped3A : memref<!tpu.dma_semaphore, #tpu.memory_space<semaphore_mem>>) src(%arg10 : memref<125x128xf32, #tpu.memory_space<vmem>>) dst(%dma_wait3A_71 : memref<10240x128xf32, #tpu.memory_space<vmem_shared>>)
        tpu.yield
      }) : () -> ()
    }
    %scan3A_15 = arith.constant 20 : i32
    "tpu.region"() ({
      %run_scoped3A = tpu.sem_alloc : memref<!tpu.dma_semaphore, #tpu.memory_space<semaphore_mem>>
      %dma_start3A_34 = arith.constant 40 : i32
      %dma_start3A_35 = arith.constant 0 : i32
      %dma_start3A_36 = tpu.memref_slice %arg3[%add3A, %dma_start3A_34, %dma_start3A_35] : memref<32x80x125xi32, #tpu.memory_space<hbm>> -> memref<1x40x125xi32, #tpu.memory_space<hbm>>
      %dma_start3A_37 = tpu.memref_squeeze %dma_start3A_36 : memref<1x40x125xi32, #tpu.memory_space<hbm>> -> memref<40x125xi32, #tpu.memory_space<hbm>>
      %dma_start3A_38 = arith.constant 40 : i32
      %dma_start3A_39 = arith.constant 0 : i32
      %dma_start3A_40 = tpu.memref_slice %arg3[%add3A, %dma_start3A_38, %dma_start3A_39] : memref<32x80x125xi32, #tpu.memory_space<hbm>> -> memref<1x40x125xi32, #tpu.memory_space<hbm>>
      %dma_start3A_41 = tpu.memref_squeeze %dma_start3A_40 : memref<1x40x125xi32, #tpu.memory_space<hbm>> -> memref<40x125xi32, #tpu.memory_space<hbm>>
      tpu.enqueue_dma source(%dma_start3A_41 : memref<40x125xi32, #tpu.memory_space<hbm>>) target(%arg7 : memref<40x125xi32, #tpu.memory_space<vmem>>) target_semaphore(%run_scoped3A : memref<!tpu.dma_semaphore, #tpu.memory_space<semaphore_mem>>)
      %dma_wait3A = arith.constant 40 : i32
      %dma_wait3A_42 = arith.constant 0 : i32
      %dma_wait3A_43 = tpu.memref_slice %arg3[%add3A, %dma_wait3A, %dma_wait3A_42] : memref<32x80x125xi32, #tpu.memory_space<hbm>> -> memref<1x40x125xi32, #tpu.memory_space<hbm>>
      %dma_wait3A_44 = tpu.memref_squeeze %dma_wait3A_43 : memref<1x40x125xi32, #tpu.memory_space<hbm>> -> memref<40x125xi32, #tpu.memory_space<hbm>>
      %dma_wait3A_45 = arith.constant 40 : i32
      %dma_wait3A_46 = arith.constant 0 : i32
      %dma_wait3A_47 = tpu.memref_slice %arg3[%add3A, %dma_wait3A_45, %dma_wait3A_46] : memref<32x80x125xi32, #tpu.memory_space<hbm>> -> memref<1x40x125xi32, #tpu.memory_space<hbm>>
      %dma_wait3A_48 = tpu.memref_squeeze %dma_wait3A_47 : memref<1x40x125xi32, #tpu.memory_space<hbm>> -> memref<40x125xi32, #tpu.memory_space<hbm>>
      tpu.wait_dma2 semaphore(%run_scoped3A : memref<!tpu.dma_semaphore, #tpu.memory_space<semaphore_mem>>) src(%dma_wait3A_48 : memref<40x125xi32, #tpu.memory_space<hbm>>) dst(%arg7 : memref<40x125xi32, #tpu.memory_space<vmem>>)
      tpu.yield
    }) : () -> ()
    "tpu.region"() ({
      %run_scoped3A = tpu.sem_alloc : memref<!tpu.dma_semaphore, #tpu.memory_space<semaphore_mem>>
      %dma_start3A_34 = arith.constant 40 : i32
      %dma_start3A_35 = arith.constant 0 : i32
      %dma_start3A_36 = tpu.memref_slice %arg4[%add3A, %dma_start3A_34, %dma_start3A_35] : memref<32x80x125xi32, #tpu.memory_space<hbm>> -> memref<1x40x125xi32, #tpu.memory_space<hbm>>
      %dma_start3A_37 = tpu.memref_squeeze %dma_start3A_36 : memref<1x40x125xi32, #tpu.memory_space<hbm>> -> memref<40x125xi32, #tpu.memory_space<hbm>>
      %dma_start3A_38 = arith.constant 40 : i32
      %dma_start3A_39 = arith.constant 0 : i32
      %dma_start3A_40 = tpu.memref_slice %arg4[%add3A, %dma_start3A_38, %dma_start3A_39] : memref<32x80x125xi32, #tpu.memory_space<hbm>> -> memref<1x40x125xi32, #tpu.memory_space<hbm>>
      %dma_start3A_41 = tpu.memref_squeeze %dma_start3A_40 : memref<1x40x125xi32, #tpu.memory_space<hbm>> -> memref<40x125xi32, #tpu.memory_space<hbm>>
      tpu.enqueue_dma source(%dma_start3A_41 : memref<40x125xi32, #tpu.memory_space<hbm>>) target(%arg8 : memref<40x125xi32, #tpu.memory_space<vmem>>) target_semaphore(%run_scoped3A : memref<!tpu.dma_semaphore, #tpu.memory_space<semaphore_mem>>)
      %dma_wait3A = arith.constant 40 : i32
      %dma_wait3A_42 = arith.constant 0 : i32
      %dma_wait3A_43 = tpu.memref_slice %arg4[%add3A, %dma_wait3A, %dma_wait3A_42] : memref<32x80x125xi32, #tpu.memory_space<hbm>> -> memref<1x40x125xi32, #tpu.memory_space<hbm>>
      %dma_wait3A_44 = tpu.memref_squeeze %dma_wait3A_43 : memref<1x40x125xi32, #tpu.memory_space<hbm>> -> memref<40x125xi32, #tpu.memory_space<hbm>>
      %dma_wait3A_45 = arith.constant 40 : i32
      %dma_wait3A_46 = arith.constant 0 : i32
      %dma_wait3A_47 = tpu.memref_slice %arg4[%add3A, %dma_wait3A_45, %dma_wait3A_46] : memref<32x80x125xi32, #tpu.memory_space<hbm>> -> memref<1x40x125xi32, #tpu.memory_space<hbm>>
      %dma_wait3A_48 = tpu.memref_squeeze %dma_wait3A_47 : memref<1x40x125xi32, #tpu.memory_space<hbm>> -> memref<40x125xi32, #tpu.memory_space<hbm>>
      tpu.wait_dma2 semaphore(%run_scoped3A : memref<!tpu.dma_semaphore, #tpu.memory_space<semaphore_mem>>) src(%dma_wait3A_48 : memref<40x125xi32, #tpu.memory_space<hbm>>) dst(%arg8 : memref<40x125xi32, #tpu.memory_space<vmem>>)
      tpu.yield
    }) : () -> ()
    %dma_start3A_16 = arith.constant 0 : i32
    %dma_start3A_17 = arith.constant 0 : i32
    %dma_start3A_18 = tpu.memref_slice %arg7[%dma_start3A_16, %dma_start3A_17] : memref<40x125xi32, #tpu.memory_space<vmem>> -> memref<1x125xi32, #tpu.memory_space<vmem>>
    %dma_start3A_19 = tpu.memref_squeeze %dma_start3A_18 : memref<1x125xi32, #tpu.memory_space<vmem>> -> memref<125xi32, #tpu.memory_space<vmem>>
    %dma_start3A_20 = arith.constant 0 : i32
    %dma_start3A_21 = arith.constant 0 : i32
    %dma_start3A_22 = tpu.memref_slice %arg2[%dma_start3A_20, %dma_start3A_21] : memref<10240x128xf32, #tpu.memory_space<hbm>> -> memref<10240x128xf32, #tpu.memory_space<hbm>>
    tpu.enqueue_indirect_dma source(%dma_start3A_22 : memref<10240x128xf32, #tpu.memory_space<hbm>>) target(%arg9 : memref<125x128xf32, #tpu.memory_space<vmem>>) offsets(%dma_start3A_19 : memref<125xi32, #tpu.memory_space<vmem>>) semaphore(%arg11 : memref<!tpu.dma_semaphore, #tpu.memory_space<semaphore_mem>>)
    %scan3A_23 = arith.constant 0 : i32
    %scan3A_24 = arith.constant 0 : i32
    %scan3A_25 = arith.constant 20 : i32
    %scan3A_26 = arith.addi %scan3A_24, %scan3A_25 : i32
    %scan3A_27 = arith.constant 1 : i32
    scf.for %scan3A_34 = %scan3A_24 to %scan3A_26 step %scan3A_27  : i32 {
      %mul3A_35 = arith.constant 2 : i32
      %mul3A_36 = arith.muli %mul3A_35, %scan3A_34 : i32
      %add3A_37 = arith.constant 1 : i32
      %add3A_38 = arith.addi %mul3A_36, %add3A_37 : i32
      %dma_wait3A = arith.constant 0 : i32
      %dma_wait3A_39 = tpu.memref_slice %arg7[%mul3A_36, %dma_wait3A] : memref<40x125xi32, #tpu.memory_space<vmem>> -> memref<1x125xi32, #tpu.memory_space<vmem>>
      %dma_wait3A_40 = tpu.memref_squeeze %dma_wait3A_39 : memref<1x125xi32, #tpu.memory_space<vmem>> -> memref<125xi32, #tpu.memory_space<vmem>>
      %dma_wait3A_41 = arith.constant 0 : i32
      %dma_wait3A_42 = arith.constant 0 : i32
      %dma_wait3A_43 = tpu.memref_slice %arg2[%dma_wait3A_41, %dma_wait3A_42] : memref<10240x128xf32, #tpu.memory_space<hbm>> -> memref<10240x128xf32, #tpu.memory_space<hbm>>
      tpu.wait_indirect_dma semaphore(%arg11 : memref<!tpu.dma_semaphore, #tpu.memory_space<semaphore_mem>>) src(%dma_wait3A_43 : memref<10240x128xf32, #tpu.memory_space<hbm>>) dst(%arg9 : memref<125x128xf32, #tpu.memory_space<vmem>>)
      %dma_start3A_44 = arith.constant 0 : i32
      %dma_start3A_45 = tpu.memref_slice %arg7[%add3A_38, %dma_start3A_44] : memref<40x125xi32, #tpu.memory_space<vmem>> -> memref<1x125xi32, #tpu.memory_space<vmem>>
      %dma_start3A_46 = tpu.memref_squeeze %dma_start3A_45 : memref<1x125xi32, #tpu.memory_space<vmem>> -> memref<125xi32, #tpu.memory_space<vmem>>
      %dma_start3A_47 = arith.constant 0 : i32
      %dma_start3A_48 = arith.constant 0 : i32
      %dma_start3A_49 = tpu.memref_slice %arg2[%dma_start3A_47, %dma_start3A_48] : memref<10240x128xf32, #tpu.memory_space<hbm>> -> memref<10240x128xf32, #tpu.memory_space<hbm>>
      tpu.enqueue_indirect_dma source(%dma_start3A_49 : memref<10240x128xf32, #tpu.memory_space<hbm>>) target(%arg10 : memref<125x128xf32, #tpu.memory_space<vmem>>) offsets(%dma_start3A_46 : memref<125xi32, #tpu.memory_space<vmem>>) semaphore(%arg12 : memref<!tpu.dma_semaphore, #tpu.memory_space<semaphore_mem>>)
      "tpu.region"() ({
        %run_scoped3A = tpu.sem_alloc : memref<!tpu.dma_semaphore, #tpu.memory_space<semaphore_mem>>
        %dma_start3A_60 = arith.constant 0 : i32
        %dma_start3A_61 = tpu.memref_slice %arg8[%mul3A_36, %dma_start3A_60] : memref<40x125xi32, #tpu.memory_space<vmem>> -> memref<1x125xi32, #tpu.memory_space<vmem>>
        %dma_start3A_62 = tpu.memref_squeeze %dma_start3A_61 : memref<1x125xi32, #tpu.memory_space<vmem>> -> memref<125xi32, #tpu.memory_space<vmem>>
        %dma_start3A_63 = arith.constant 0 : i32
        %dma_start3A_64 = arith.constant 0 : i32
        %dma_start3A_65 = tpu.memref_slice %arg13[%dma_start3A_63, %dma_start3A_64] : memref<10240x128xf32, #tpu.memory_space<vmem_shared>> -> memref<10240x128xf32, #tpu.memory_space<vmem_shared>>
        tpu.enqueue_indirect_dma source(%arg9 : memref<125x128xf32, #tpu.memory_space<vmem>>) target(%dma_start3A_65 : memref<10240x128xf32, #tpu.memory_space<vmem_shared>>) offsets(%dma_start3A_62 : memref<125xi32, #tpu.memory_space<vmem>>) semaphore(%run_scoped3A : memref<!tpu.dma_semaphore, #tpu.memory_space<semaphore_mem>>) {add = true}
        %dma_wait3A_66 = arith.constant 0 : i32
        %dma_wait3A_67 = tpu.memref_slice %arg8[%mul3A_36, %dma_wait3A_66] : memref<40x125xi32, #tpu.memory_space<vmem>> -> memref<1x125xi32, #tpu.memory_space<vmem>>
        %dma_wait3A_68 = tpu.memref_squeeze %dma_wait3A_67 : memref<1x125xi32, #tpu.memory_space<vmem>> -> memref<125xi32, #tpu.memory_space<vmem>>
        %dma_wait3A_69 = arith.constant 0 : i32
        %dma_wait3A_70 = arith.constant 0 : i32
        %dma_wait3A_71 = tpu.memref_slice %arg13[%dma_wait3A_69, %dma_wait3A_70] : memref<10240x128xf32, #tpu.memory_space<vmem_shared>> -> memref<10240x128xf32, #tpu.memory_space<vmem_shared>>
        tpu.wait_indirect_dma semaphore(%run_scoped3A : memref<!tpu.dma_semaphore, #tpu.memory_space<semaphore_mem>>) src(%arg9 : memref<125x128xf32, #tpu.memory_space<vmem>>) dst(%dma_wait3A_71 : memref<10240x128xf32, #tpu.memory_space<vmem_shared>>)
        tpu.yield
      }) : () -> ()
      %dma_wait3A_50 = arith.constant 0 : i32
      %dma_wait3A_51 = tpu.memref_slice %arg7[%add3A_38, %dma_wait3A_50] : memref<40x125xi32, #tpu.memory_space<vmem>> -> memref<1x125xi32, #tpu.memory_space<vmem>>
      %dma_wait3A_52 = tpu.memref_squeeze %dma_wait3A_51 : memref<1x125xi32, #tpu.memory_space<vmem>> -> memref<125xi32, #tpu.memory_space<vmem>>
      %dma_wait3A_53 = arith.constant 0 : i32
      %dma_wait3A_54 = arith.constant 0 : i32
      %dma_wait3A_55 = tpu.memref_slice %arg2[%dma_wait3A_53, %dma_wait3A_54] : memref<10240x128xf32, #tpu.memory_space<hbm>> -> memref<10240x128xf32, #tpu.memory_space<hbm>>
      tpu.wait_indirect_dma semaphore(%arg12 : memref<!tpu.dma_semaphore, #tpu.memory_space<semaphore_mem>>) src(%dma_wait3A_55 : memref<10240x128xf32, #tpu.memory_space<hbm>>) dst(%arg10 : memref<125x128xf32, #tpu.memory_space<vmem>>)
      %add3A_56 = arith.constant 1 : i32
      %add3A_57 = arith.addi %scan3A_34, %add3A_56 : i32
      %lt3A = arith.constant 20 : i32
      %lt3A_58 = arith.cmpi slt, %add3A_57, %lt3A : i32
      %convert_element_type3A = arith.extui %lt3A_58 : i1 to i32
      %cond3A = arith.constant 0 : i32
      %cond3A_59 = arith.cmpi ne, %convert_element_type3A, %cond3A : i32
      scf.if %cond3A_59 {
        %add3A_60 = arith.constant 2 : i32
        %add3A_61 = arith.addi %mul3A_36, %add3A_60 : i32
        %dma_start3A_62 = arith.constant 0 : i32
        %dma_start3A_63 = tpu.memref_slice %arg7[%add3A_61, %dma_start3A_62] : memref<40x125xi32, #tpu.memory_space<vmem>> -> memref<1x125xi32, #tpu.memory_space<vmem>>
        %dma_start3A_64 = tpu.memref_squeeze %dma_start3A_63 : memref<1x125xi32, #tpu.memory_space<vmem>> -> memref<125xi32, #tpu.memory_space<vmem>>
        %dma_start3A_65 = arith.constant 0 : i32
        %dma_start3A_66 = arith.constant 0 : i32
        %dma_start3A_67 = tpu.memref_slice %arg2[%dma_start3A_65, %dma_start3A_66] : memref<10240x128xf32, #tpu.memory_space<hbm>> -> memref<10240x128xf32, #tpu.memory_space<hbm>>
        tpu.enqueue_indirect_dma source(%dma_start3A_67 : memref<10240x128xf32, #tpu.memory_space<hbm>>) target(%arg9 : memref<125x128xf32, #tpu.memory_space<vmem>>) offsets(%dma_start3A_64 : memref<125xi32, #tpu.memory_space<vmem>>) semaphore(%arg11 : memref<!tpu.dma_semaphore, #tpu.memory_space<semaphore_mem>>)
      } else {
      }
      "tpu.region"() ({
        %run_scoped3A = tpu.sem_alloc : memref<!tpu.dma_semaphore, #tpu.memory_space<semaphore_mem>>
        %dma_start3A_60 = arith.constant 0 : i32
        %dma_start3A_61 = tpu.memref_slice %arg8[%add3A_38, %dma_start3A_60] : memref<40x125xi32, #tpu.memory_space<vmem>> -> memref<1x125xi32, #tpu.memory_space<vmem>>
        %dma_start3A_62 = tpu.memref_squeeze %dma_start3A_61 : memref<1x125xi32, #tpu.memory_space<vmem>> -> memref<125xi32, #tpu.memory_space<vmem>>
        %dma_start3A_63 = arith.constant 0 : i32
        %dma_start3A_64 = arith.constant 0 : i32
        %dma_start3A_65 = tpu.memref_slice %arg13[%dma_start3A_63, %dma_start3A_64] : memref<10240x128xf32, #tpu.memory_space<vmem_shared>> -> memref<10240x128xf32, #tpu.memory_space<vmem_shared>>
        tpu.enqueue_indirect_dma source(%arg10 : memref<125x128xf32, #tpu.memory_space<vmem>>) target(%dma_start3A_65 : memref<10240x128xf32, #tpu.memory_space<vmem_shared>>) offsets(%dma_start3A_62 : memref<125xi32, #tpu.memory_space<vmem>>) semaphore(%run_scoped3A : memref<!tpu.dma_semaphore, #tpu.memory_space<semaphore_mem>>) {add = true}
        %dma_wait3A_66 = arith.constant 0 : i32
        %dma_wait3A_67 = tpu.memref_slice %arg8[%add3A_38, %dma_wait3A_66] : memref<40x125xi32, #tpu.memory_space<vmem>> -> memref<1x125xi32, #tpu.memory_space<vmem>>
        %dma_wait3A_68 = tpu.memref_squeeze %dma_wait3A_67 : memref<1x125xi32, #tpu.memory_space<vmem>> -> memref<125xi32, #tpu.memory_space<vmem>>
        %dma_wait3A_69 = arith.constant 0 : i32
        %dma_wait3A_70 = arith.constant 0 : i32
        %dma_wait3A_71 = tpu.memref_slice %arg13[%dma_wait3A_69, %dma_wait3A_70] : memref<10240x128xf32, #tpu.memory_space<vmem_shared>> -> memref<10240x128xf32, #tpu.memory_space<vmem_shared>>
        tpu.wait_indirect_dma semaphore(%run_scoped3A : memref<!tpu.dma_semaphore, #tpu.memory_space<semaphore_mem>>) src(%arg10 : memref<125x128xf32, #tpu.memory_space<vmem>>) dst(%dma_wait3A_71 : memref<10240x128xf32, #tpu.memory_space<vmem_shared>>)
        tpu.yield
      }) : () -> ()
    }
    %scan3A_28 = arith.constant 20 : i32
    %barrier3A_29 = arith.constant 0 : index
    tpu.barrier barrier_id(%barrier3A_29)
    %mul3A_30 = arith.constant 640 : i32
    %mul3A_31 = arith.muli %arg1, %mul3A_30 : i32
    %mul3A_32 = arith.constant 640 : i32
    %mul3A_33 = arith.muli %arg1, %mul3A_32 : i32
    "tpu.region"() ({
      %run_scoped3A = tpu.sem_alloc : memref<!tpu.dma_semaphore, #tpu.memory_space<semaphore_mem>>
      %dma_start3A_34 = arith.constant 0 : i32
      %dma_start3A_35 = tpu.memref_slice %arg6[%arg0, %mul3A_33, %dma_start3A_34] : memref<2x10240x128xf32, #tpu.memory_space<hbm>> -> memref<1x640x128xf32, #tpu.memory_space<hbm>>
      %dma_start3A_36 = tpu.memref_squeeze %dma_start3A_35 : memref<1x640x128xf32, #tpu.memory_space<hbm>> -> memref<640x128xf32, #tpu.memory_space<hbm>>
      %dma_start3A_37 = arith.constant 0 : i32
      %dma_start3A_38 = tpu.memref_slice %arg13[%mul3A_31, %dma_start3A_37] : memref<10240x128xf32, #tpu.memory_space<vmem_shared>> -> memref<640x128xf32, #tpu.memory_space<vmem_shared>>
      tpu.enqueue_dma source(%dma_start3A_38 : memref<640x128xf32, #tpu.memory_space<vmem_shared>>) target(%dma_start3A_36 : memref<640x128xf32, #tpu.memory_space<hbm>>) target_semaphore(%run_scoped3A : memref<!tpu.dma_semaphore, #tpu.memory_space<semaphore_mem>>)
      %dma_wait3A = arith.constant 0 : i32
      %dma_wait3A_39 = tpu.memref_slice %arg6[%arg0, %mul3A_33, %dma_wait3A] : memref<2x10240x128xf32, #tpu.memory_space<hbm>> -> memref<1x640x128xf32, #tpu.memory_space<hbm>>
      %dma_wait3A_40 = tpu.memref_squeeze %dma_wait3A_39 : memref<1x640x128xf32, #tpu.memory_space<hbm>> -> memref<640x128xf32, #tpu.memory_space<hbm>>
      %dma_wait3A_41 = arith.constant 0 : i32
      %dma_wait3A_42 = tpu.memref_slice %arg13[%mul3A_31, %dma_wait3A_41] : memref<10240x128xf32, #tpu.memory_space<vmem_shared>> -> memref<640x128xf32, #tpu.memory_space<vmem_shared>>
      tpu.wait_dma2 semaphore(%run_scoped3A : memref<!tpu.dma_semaphore, #tpu.memory_space<semaphore_mem>>) src(%dma_wait3A_42 : memref<640x128xf32, #tpu.memory_space<vmem_shared>>) dst(%dma_wait3A_40 : memref<640x128xf32, #tpu.memory_space<hbm>>)
      tpu.yield
    }) : () -> ()
    return
  }
}

#map = affine_map<(d0, d1) -> (0, 0, 0)>
#map1 = affine_map<(d0, d1) -> (0)>
#map2 = affine_map<(d0, d1) -> (0, 0)>
module attributes {stable_mosaic.version = 14 : i64} {
  func.func @_deg_kernel(%arg0: i32, %arg1: i32, %arg2: memref<32x80x125xi32, #tpu.memory_space<hbm>>, %arg3: memref<10240xf32, #tpu.memory_space<hbm>>, %arg4: memref<2x10240xf32, #tpu.memory_space<hbm>>, %arg5: memref<80x125xi32, #tpu.memory_space<vmem>>, %arg6: memref<128xf32, #tpu.memory_space<vmem>>, %arg7: memref<10240xf32, #tpu.memory_space<vmem_shared>>) attributes {dimension_semantics = [#tpu.dimension_semantics<core_parallel>, #tpu.dimension_semantics<subcore_parallel>], iteration_bounds = array<i64: 2, 16>, scalar_prefetch = 0 : i64, scratch_operands = 3 : i64, tpu.core_type = #tpu.core_type<sc_vector_subcore>, window_params = [{transform_indices = #map}, {transform_indices = #map1}, {transform_indices = #map2}]} {
    %mul3A = arith.constant 16 : i32
    %mul3A_0 = arith.muli %arg0, %mul3A : i32
    %add3A = arith.addi %mul3A_0, %arg1 : i32
    "tpu.region"() ({
      %run_scoped3A = tpu.sem_alloc : memref<!tpu.dma_semaphore, #tpu.memory_space<semaphore_mem>>
      %dma_start3A = arith.constant 0 : i32
      %dma_start3A_61 = arith.constant 0 : i32
      %dma_start3A_62 = tpu.memref_slice %arg2[%add3A, %dma_start3A, %dma_start3A_61] : memref<32x80x125xi32, #tpu.memory_space<hbm>> -> memref<1x80x125xi32, #tpu.memory_space<hbm>>
      %dma_start3A_63 = tpu.memref_squeeze %dma_start3A_62 : memref<1x80x125xi32, #tpu.memory_space<hbm>> -> memref<80x125xi32, #tpu.memory_space<hbm>>
      %dma_start3A_64 = arith.constant 0 : i32
      %dma_start3A_65 = arith.constant 0 : i32
      %dma_start3A_66 = tpu.memref_slice %arg2[%add3A, %dma_start3A_64, %dma_start3A_65] : memref<32x80x125xi32, #tpu.memory_space<hbm>> -> memref<1x80x125xi32, #tpu.memory_space<hbm>>
      %dma_start3A_67 = tpu.memref_squeeze %dma_start3A_66 : memref<1x80x125xi32, #tpu.memory_space<hbm>> -> memref<80x125xi32, #tpu.memory_space<hbm>>
      tpu.enqueue_dma source(%dma_start3A_67 : memref<80x125xi32, #tpu.memory_space<hbm>>) target(%arg5 : memref<80x125xi32, #tpu.memory_space<vmem>>) target_semaphore(%run_scoped3A : memref<!tpu.dma_semaphore, #tpu.memory_space<semaphore_mem>>)
      %dma_wait3A = arith.constant 0 : i32
      %dma_wait3A_68 = arith.constant 0 : i32
      %dma_wait3A_69 = tpu.memref_slice %arg2[%add3A, %dma_wait3A, %dma_wait3A_68] : memref<32x80x125xi32, #tpu.memory_space<hbm>> -> memref<1x80x125xi32, #tpu.memory_space<hbm>>
      %dma_wait3A_70 = tpu.memref_squeeze %dma_wait3A_69 : memref<1x80x125xi32, #tpu.memory_space<hbm>> -> memref<80x125xi32, #tpu.memory_space<hbm>>
      %dma_wait3A_71 = arith.constant 0 : i32
      %dma_wait3A_72 = arith.constant 0 : i32
      %dma_wait3A_73 = tpu.memref_slice %arg2[%add3A, %dma_wait3A_71, %dma_wait3A_72] : memref<32x80x125xi32, #tpu.memory_space<hbm>> -> memref<1x80x125xi32, #tpu.memory_space<hbm>>
      %dma_wait3A_74 = tpu.memref_squeeze %dma_wait3A_73 : memref<1x80x125xi32, #tpu.memory_space<hbm>> -> memref<80x125xi32, #tpu.memory_space<hbm>>
      tpu.wait_dma2 semaphore(%run_scoped3A : memref<!tpu.dma_semaphore, #tpu.memory_space<semaphore_mem>>) src(%dma_wait3A_74 : memref<80x125xi32, #tpu.memory_space<hbm>>) dst(%arg5 : memref<80x125xi32, #tpu.memory_space<vmem>>)
      tpu.yield
    }) : () -> ()
    %broadcast_in_dim3A = arith.constant 1.000000e+00 : f32
    %broadcast_in_dim3A_1 = vector.broadcast %broadcast_in_dim3A : f32 to vector<16xf32>
    %swap3A = arith.constant 0 : index
    %swap3A_2 = tpu.vector_load %arg6[%swap3A] {strides = array<i32>} : memref<128xf32, #tpu.memory_space<vmem>>, vector<16xf32>,
    %swap3A_3 = vector.shape_cast %swap3A_2 : vector<16xf32> to vector<16xf32>
    %swap3A_4 = vector.shape_cast %broadcast_in_dim3A_1 : vector<16xf32> to vector<16xf32>
    tpu.vector_store %arg6[%swap3A], %swap3A_4 {strides = array<i32>} : memref<128xf32, #tpu.memory_space<vmem>>, vector<16xf32>,
    %broadcast_in_dim3A_5 = arith.constant 1.000000e+00 : f32
    %broadcast_in_dim3A_6 = vector.broadcast %broadcast_in_dim3A_5 : f32 to vector<16xf32>
    %swap3A_7 = arith.constant 16 : index
    %swap3A_8 = tpu.vector_load %arg6[%swap3A_7] {strides = array<i32>} : memref<128xf32, #tpu.memory_space<vmem>>, vector<16xf32>,
    %swap3A_9 = vector.shape_cast %swap3A_8 : vector<16xf32> to vector<16xf32>
    %swap3A_10 = vector.shape_cast %broadcast_in_dim3A_6 : vector<16xf32> to vector<16xf32>
    tpu.vector_store %arg6[%swap3A_7], %swap3A_10 {strides = array<i32>} : memref<128xf32, #tpu.memory_space<vmem>>, vector<16xf32>,
    %broadcast_in_dim3A_11 = arith.constant 1.000000e+00 : f32
    %broadcast_in_dim3A_12 = vector.broadcast %broadcast_in_dim3A_11 : f32 to vector<16xf32>
    %swap3A_13 = arith.constant 32 : index
    %swap3A_14 = tpu.vector_load %arg6[%swap3A_13] {strides = array<i32>} : memref<128xf32, #tpu.memory_space<vmem>>, vector<16xf32>,
    %swap3A_15 = vector.shape_cast %swap3A_14 : vector<16xf32> to vector<16xf32>
    %swap3A_16 = vector.shape_cast %broadcast_in_dim3A_12 : vector<16xf32> to vector<16xf32>
    tpu.vector_store %arg6[%swap3A_13], %swap3A_16 {strides = array<i32>} : memref<128xf32, #tpu.memory_space<vmem>>, vector<16xf32>,
    %broadcast_in_dim3A_17 = arith.constant 1.000000e+00 : f32
    %broadcast_in_dim3A_18 = vector.broadcast %broadcast_in_dim3A_17 : f32 to vector<16xf32>
    %swap3A_19 = arith.constant 48 : index
    %swap3A_20 = tpu.vector_load %arg6[%swap3A_19] {strides = array<i32>} : memref<128xf32, #tpu.memory_space<vmem>>, vector<16xf32>,
    %swap3A_21 = vector.shape_cast %swap3A_20 : vector<16xf32> to vector<16xf32>
    %swap3A_22 = vector.shape_cast %broadcast_in_dim3A_18 : vector<16xf32> to vector<16xf32>
    tpu.vector_store %arg6[%swap3A_19], %swap3A_22 {strides = array<i32>} : memref<128xf32, #tpu.memory_space<vmem>>, vector<16xf32>,
    %broadcast_in_dim3A_23 = arith.constant 1.000000e+00 : f32
    %broadcast_in_dim3A_24 = vector.broadcast %broadcast_in_dim3A_23 : f32 to vector<16xf32>
    %swap3A_25 = arith.constant 64 : index
    %swap3A_26 = tpu.vector_load %arg6[%swap3A_25] {strides = array<i32>} : memref<128xf32, #tpu.memory_space<vmem>>, vector<16xf32>,
    %swap3A_27 = vector.shape_cast %swap3A_26 : vector<16xf32> to vector<16xf32>
    %swap3A_28 = vector.shape_cast %broadcast_in_dim3A_24 : vector<16xf32> to vector<16xf32>
    tpu.vector_store %arg6[%swap3A_25], %swap3A_28 {strides = array<i32>} : memref<128xf32, #tpu.memory_space<vmem>>, vector<16xf32>,
    %broadcast_in_dim3A_29 = arith.constant 1.000000e+00 : f32
    %broadcast_in_dim3A_30 = vector.broadcast %broadcast_in_dim3A_29 : f32 to vector<16xf32>
    %swap3A_31 = arith.constant 80 : index
    %swap3A_32 = tpu.vector_load %arg6[%swap3A_31] {strides = array<i32>} : memref<128xf32, #tpu.memory_space<vmem>>, vector<16xf32>,
    %swap3A_33 = vector.shape_cast %swap3A_32 : vector<16xf32> to vector<16xf32>
    %swap3A_34 = vector.shape_cast %broadcast_in_dim3A_30 : vector<16xf32> to vector<16xf32>
    tpu.vector_store %arg6[%swap3A_31], %swap3A_34 {strides = array<i32>} : memref<128xf32, #tpu.memory_space<vmem>>, vector<16xf32>,
    %broadcast_in_dim3A_35 = arith.constant 1.000000e+00 : f32
    %broadcast_in_dim3A_36 = vector.broadcast %broadcast_in_dim3A_35 : f32 to vector<16xf32>
    %swap3A_37 = arith.constant 96 : index
    %swap3A_38 = tpu.vector_load %arg6[%swap3A_37] {strides = array<i32>} : memref<128xf32, #tpu.memory_space<vmem>>, vector<16xf32>,
    %swap3A_39 = vector.shape_cast %swap3A_38 : vector<16xf32> to vector<16xf32>
    %swap3A_40 = vector.shape_cast %broadcast_in_dim3A_36 : vector<16xf32> to vector<16xf32>
    tpu.vector_store %arg6[%swap3A_37], %swap3A_40 {strides = array<i32>} : memref<128xf32, #tpu.memory_space<vmem>>, vector<16xf32>,
    %broadcast_in_dim3A_41 = arith.constant 1.000000e+00 : f32
    %broadcast_in_dim3A_42 = vector.broadcast %broadcast_in_dim3A_41 : f32 to vector<16xf32>
    %swap3A_43 = arith.constant 112 : index
    %swap3A_44 = tpu.vector_load %arg6[%swap3A_43] {strides = array<i32>} : memref<128xf32, #tpu.memory_space<vmem>>, vector<16xf32>,
    %swap3A_45 = vector.shape_cast %swap3A_44 : vector<16xf32> to vector<16xf32>
    %swap3A_46 = vector.shape_cast %broadcast_in_dim3A_42 : vector<16xf32> to vector<16xf32>
    tpu.vector_store %arg6[%swap3A_43], %swap3A_46 {strides = array<i32>} : memref<128xf32, #tpu.memory_space<vmem>>, vector<16xf32>,
    %mul3A_47 = arith.constant 640 : i32
    %mul3A_48 = arith.muli %arg1, %mul3A_47 : i32
    %mul3A_49 = arith.constant 640 : i32
    %mul3A_50 = arith.muli %arg1, %mul3A_49 : i32
    "tpu.region"() ({
      %run_scoped3A = tpu.sem_alloc : memref<!tpu.dma_semaphore, #tpu.memory_space<semaphore_mem>>
      %dma_start3A = tpu.memref_slice %arg7[%mul3A_50] : memref<10240xf32, #tpu.memory_space<vmem_shared>> -> memref<640xf32, #tpu.memory_space<vmem_shared>>
      %dma_start3A_61 = tpu.memref_slice %arg3[%mul3A_48] : memref<10240xf32, #tpu.memory_space<hbm>> -> memref<640xf32, #tpu.memory_space<hbm>>
      tpu.enqueue_dma source(%dma_start3A_61 : memref<640xf32, #tpu.memory_space<hbm>>) target(%dma_start3A : memref<640xf32, #tpu.memory_space<vmem_shared>>) target_semaphore(%run_scoped3A : memref<!tpu.dma_semaphore, #tpu.memory_space<semaphore_mem>>)
      %dma_wait3A = tpu.memref_slice %arg7[%mul3A_50] : memref<10240xf32, #tpu.memory_space<vmem_shared>> -> memref<640xf32, #tpu.memory_space<vmem_shared>>
      %dma_wait3A_62 = tpu.memref_slice %arg3[%mul3A_48] : memref<10240xf32, #tpu.memory_space<hbm>> -> memref<640xf32, #tpu.memory_space<hbm>>
      tpu.wait_dma2 semaphore(%run_scoped3A : memref<!tpu.dma_semaphore, #tpu.memory_space<semaphore_mem>>) src(%dma_wait3A_62 : memref<640xf32, #tpu.memory_space<hbm>>) dst(%dma_wait3A : memref<640xf32, #tpu.memory_space<vmem_shared>>)
      tpu.yield
    }) : () -> ()
    %barrier3A = arith.constant 0 : index
    tpu.barrier barrier_id(%barrier3A)
    %scan3A = arith.constant 0 : i32
    %scan3A_51 = arith.constant 0 : i32
    %scan3A_52 = arith.constant 80 : i32
    %scan3A_53 = arith.addi %scan3A_51, %scan3A_52 : i32
    %scan3A_54 = arith.constant 1 : i32
    scf.for %scan3A_61 = %scan3A_51 to %scan3A_53 step %scan3A_54  : i32 {
      "tpu.region"() ({
        %run_scoped3A = tpu.sem_alloc : memref<!tpu.dma_semaphore, #tpu.memory_space<semaphore_mem>>
        %dma_start3A = arith.constant 0 : i32
        %dma_start3A_62 = tpu.memref_slice %arg6[%dma_start3A] : memref<128xf32, #tpu.memory_space<vmem>> -> memref<125xf32, #tpu.memory_space<vmem>>
        %dma_start3A_63 = arith.constant 0 : i32
        %dma_start3A_64 = tpu.memref_slice %arg5[%scan3A_61, %dma_start3A_63] : memref<80x125xi32, #tpu.memory_space<vmem>> -> memref<1x125xi32, #tpu.memory_space<vmem>>
        %dma_start3A_65 = tpu.memref_squeeze %dma_start3A_64 : memref<1x125xi32, #tpu.memory_space<vmem>> -> memref<125xi32, #tpu.memory_space<vmem>>
        %dma_start3A_66 = arith.constant 0 : i32
        %dma_start3A_67 = tpu.memref_slice %arg7[%dma_start3A_66] : memref<10240xf32, #tpu.memory_space<vmem_shared>> -> memref<10240xf32, #tpu.memory_space<vmem_shared>>
        tpu.enqueue_indirect_dma source(%dma_start3A_62 : memref<125xf32, #tpu.memory_space<vmem>>) target(%dma_start3A_67 : memref<10240xf32, #tpu.memory_space<vmem_shared>>) offsets(%dma_start3A_65 : memref<125xi32, #tpu.memory_space<vmem>>) semaphore(%run_scoped3A : memref<!tpu.dma_semaphore, #tpu.memory_space<semaphore_mem>>) {add = true}
        %dma_wait3A = arith.constant 0 : i32
        %dma_wait3A_68 = tpu.memref_slice %arg6[%dma_wait3A] : memref<128xf32, #tpu.memory_space<vmem>> -> memref<125xf32, #tpu.memory_space<vmem>>
        %dma_wait3A_69 = arith.constant 0 : i32
        %dma_wait3A_70 = tpu.memref_slice %arg5[%scan3A_61, %dma_wait3A_69] : memref<80x125xi32, #tpu.memory_space<vmem>> -> memref<1x125xi32, #tpu.memory_space<vmem>>
        %dma_wait3A_71 = tpu.memref_squeeze %dma_wait3A_70 : memref<1x125xi32, #tpu.memory_space<vmem>> -> memref<125xi32, #tpu.memory_space<vmem>>
        %dma_wait3A_72 = arith.constant 0 : i32
        %dma_wait3A_73 = tpu.memref_slice %arg7[%dma_wait3A_72] : memref<10240xf32, #tpu.memory_space<vmem_shared>> -> memref<10240xf32, #tpu.memory_space<vmem_shared>>
        tpu.wait_indirect_dma semaphore(%run_scoped3A : memref<!tpu.dma_semaphore, #tpu.memory_space<semaphore_mem>>) src(%dma_wait3A_68 : memref<125xf32, #tpu.memory_space<vmem>>) dst(%dma_wait3A_73 : memref<10240xf32, #tpu.memory_space<vmem_shared>>)
        tpu.yield
      }) : () -> ()
    }
    %scan3A_55 = arith.constant 80 : i32
    %barrier3A_56 = arith.constant 0 : index
    tpu.barrier barrier_id(%barrier3A_56)
    %mul3A_57 = arith.constant 640 : i32
    %mul3A_58 = arith.muli %arg1, %mul3A_57 : i32
    %mul3A_59 = arith.constant 640 : i32
    %mul3A_60 = arith.muli %arg1, %mul3A_59 : i32
    "tpu.region"() ({
      %run_scoped3A = tpu.sem_alloc : memref<!tpu.dma_semaphore, #tpu.memory_space<semaphore_mem>>
      %dma_start3A = tpu.memref_slice %arg4[%arg0, %mul3A_60] : memref<2x10240xf32, #tpu.memory_space<hbm>> -> memref<1x640xf32, #tpu.memory_space<hbm>>
      %dma_start3A_61 = tpu.memref_squeeze %dma_start3A : memref<1x640xf32, #tpu.memory_space<hbm>> -> memref<640xf32, #tpu.memory_space<hbm>>
      %dma_start3A_62 = tpu.memref_slice %arg7[%mul3A_58] : memref<10240xf32, #tpu.memory_space<vmem_shared>> -> memref<640xf32, #tpu.memory_space<vmem_shared>>
      tpu.enqueue_dma source(%dma_start3A_62 : memref<640xf32, #tpu.memory_space<vmem_shared>>) target(%dma_start3A_61 : memref<640xf32, #tpu.memory_space<hbm>>) target_semaphore(%run_scoped3A : memref<!tpu.dma_semaphore, #tpu.memory_space<semaphore_mem>>)
      %dma_wait3A = tpu.memref_slice %arg4[%arg0, %mul3A_60] : memref<2x10240xf32, #tpu.memory_space<hbm>> -> memref<1x640xf32, #tpu.memory_space<hbm>>
      %dma_wait3A_63 = tpu.memref_squeeze %dma_wait3A : memref<1x640xf32, #tpu.memory_space<hbm>> -> memref<640xf32, #tpu.memory_space<hbm>>
      %dma_wait3A_64 = tpu.memref_slice %arg7[%mul3A_58] : memref<10240xf32, #tpu.memory_space<vmem_shared>> -> memref<640xf32, #tpu.memory_space<vmem_shared>>
      tpu.wait_dma2 semaphore(%run_scoped3A : memref<!tpu.dma_semaphore, #tpu.memory_space<semaphore_mem>>) src(%dma_wait3A_64 : memref<640xf32, #tpu.memory_space<vmem_shared>>) dst(%dma_wait3A_63 : memref<640xf32, #tpu.memory_space<hbm>>)
      tpu.yield
    }) : () -> ()
    return
  }
}

module attributes {stable_mosaic.version = 14 : i64} {
  func.func @_prep_body(%arg0: memref<10240x128xf32, #tpu.memory_space<vmem>>, %arg1: memref<128x128xf32, #tpu.memory_space<vmem>>, %arg2: memref<10240x2xf32, #tpu.memory_space<vmem>>, %arg3: memref<10240x128xf32, #tpu.memory_space<vmem>>) attributes {dimension_semantics = [], scalar_prefetch = 0 : i64, scratch_operands = 0 : i64, tpu.core_type = #tpu.core_type<tc>} {
    %get3A = arith.constant 0 : index
    %get3A_0 = arith.constant 0 : index
    %get3A_1 = vector.load %arg2[%get3A, %get3A_0] : memref<10240x2xf32, #tpu.memory_space<vmem>>, vector<10240x1xf32>
    %get3A_2 = arith.constant 0 : index
    %get3A_3 = arith.constant 1 : index
    %get3A_4 = vector.load %arg2[%get3A_2, %get3A_3] : memref<10240x2xf32, #tpu.memory_space<vmem>>, vector<10240x1xf32>
    %add3A = arith.addf %get3A_1, %get3A_4 : vector<10240x1xf32>
    %add3A_5 = arith.constant 1.000000e+00 : f32
    %add3A_6 = vector.broadcast %add3A_5 : f32 to vector<10240x1xf32>
    %add3A_7 = arith.addf %add3A, %add3A_6 : vector<10240x1xf32>
    %rsqrt3A = math.rsqrt %add3A_7 : vector<10240x1xf32>
    %get3A_8 = arith.constant 0 : index
    %get3A_9 = arith.constant 0 : index
    %get3A_10 = vector.load %arg0[%get3A_8, %get3A_9] : memref<10240x128xf32, #tpu.memory_space<vmem>>, vector<10240x128xf32>
    %get3A_11 = arith.constant 0 : index
    %get3A_12 = arith.constant 0 : index
    %get3A_13 = vector.load %arg1[%get3A_11, %get3A_12] : memref<128x128xf32, #tpu.memory_space<vmem>>, vector<128x128xf32>
    %dot_general3A = arith.constant dense<0.000000e+00> : vector<10240x128xf32>
    %dot_general3A_14 = tpu.matmul %get3A_10, %get3A_13, %dot_general3A {dimension_numbers = #tpu.dot_dimension_numbers<[1], [0], [0], [1], [0, 0, 1, 1], [], []>, transpose_lhs_hint = false} : vector<10240x128xf32>, vector<128x128xf32>, vector<10240x128xf32> -> vector<10240x128xf32>
    %mul3A = vector.broadcast %rsqrt3A : vector<10240x1xf32> to vector<10240x128xf32>
    %mul3A_15 = arith.mulf %dot_general3A_14, %mul3A : vector<10240x128xf32>
    %swap3A = arith.constant 0 : index
    %swap3A_16 = arith.constant 0 : index
    %swap3A_17 = vector.load %arg3[%swap3A, %swap3A_16] : memref<10240x128xf32, #tpu.memory_space<vmem>>, vector<10240x128xf32>
    tpu.vector_store %arg3[%swap3A, %swap3A_16], %mul3A_15 {strides = array<i32>} : memref<10240x128xf32, #tpu.memory_space<vmem>>, vector<10240x128xf32>,
    return
  }
}

module attributes {stable_mosaic.version = 14 : i64} {
  func.func @_post_body(%arg0: memref<2x10240x128xf32, #tpu.memory_space<vmem>>, %arg1: memref<10240x128xf32, #tpu.memory_space<vmem>>, %arg2: memref<10240x2xf32, #tpu.memory_space<vmem>>, %arg3: memref<10000x128xf32, #tpu.memory_space<vmem>>, %arg4: memref<1x128xf32, #tpu.memory_space<vmem>>, %arg5: memref<1x128xf32, #tpu.memory_space<vmem>>, %arg6: memref<1x128xf32, #tpu.memory_space<vmem>>, %arg7: memref<10000x128xf32, #tpu.memory_space<vmem>>) attributes {dimension_semantics = [], scalar_prefetch = 0 : i64, scratch_operands = 0 : i64, tpu.core_type = #tpu.core_type<tc>} {
    %get3A = arith.constant 0 : index
    %get3A_0 = arith.constant 0 : index
    %get3A_1 = arith.constant 0 : index
    %get3A_2 = vector.load %arg0[%get3A, %get3A_0, %get3A_1] : memref<2x10240x128xf32, #tpu.memory_space<vmem>>, vector<1x10240x128xf32>
    %get3A_3 = vector.shape_cast %get3A_2 : vector<1x10240x128xf32> to vector<10240x128xf32>
    %slice3A = vector.extract_strided_slice %get3A_3 {offsets = [0, 0], sizes = [10000, 128], strides = [1, 1]} : vector<10240x128xf32> to vector<10000x128xf32>
    %get3A_4 = arith.constant 1 : index
    %get3A_5 = arith.constant 0 : index
    %get3A_6 = arith.constant 0 : index
    %get3A_7 = vector.load %arg0[%get3A_4, %get3A_5, %get3A_6] : memref<2x10240x128xf32, #tpu.memory_space<vmem>>, vector<1x10240x128xf32>
    %get3A_8 = vector.shape_cast %get3A_7 : vector<1x10240x128xf32> to vector<10240x128xf32>
    %slice3A_9 = vector.extract_strided_slice %get3A_8 {offsets = [0, 0], sizes = [10000, 128], strides = [1, 1]} : vector<10240x128xf32> to vector<10000x128xf32>
    %add3A = arith.addf %slice3A, %slice3A_9 : vector<10000x128xf32>
    %get3A_10 = arith.constant 0 : index
    %get3A_11 = arith.constant 0 : index
    %get3A_12 = vector.load %arg1[%get3A_10, %get3A_11] : memref<10240x128xf32, #tpu.memory_space<vmem>>, vector<10000x128xf32>
    %add3A_13 = arith.addf %add3A, %get3A_12 : vector<10000x128xf32>
    %get3A_14 = arith.constant 0 : index
    %get3A_15 = arith.constant 0 : index
    %get3A_16 = vector.load %arg2[%get3A_14, %get3A_15] : memref<10240x2xf32, #tpu.memory_space<vmem>>, vector<10000x1xf32>
    %get3A_17 = arith.constant 0 : index
    %get3A_18 = arith.constant 1 : index
    %get3A_19 = vector.load %arg2[%get3A_17, %get3A_18] : memref<10240x2xf32, #tpu.memory_space<vmem>>, vector<10000x1xf32>
    %add3A_20 = arith.addf %get3A_16, %get3A_19 : vector<10000x1xf32>
    %add3A_21 = arith.constant 1.000000e+00 : f32
    %add3A_22 = vector.broadcast %add3A_21 : f32 to vector<10000x1xf32>
    %add3A_23 = arith.addf %add3A_20, %add3A_22 : vector<10000x1xf32>
    %rsqrt3A = math.rsqrt %add3A_23 : vector<10000x1xf32>
    %mul3A = vector.broadcast %rsqrt3A : vector<10000x1xf32> to vector<10000x128xf32>
    %mul3A_24 = arith.mulf %add3A_13, %mul3A : vector<10000x128xf32>
    %get3A_25 = arith.constant 0 : index
    %get3A_26 = arith.constant 0 : index
    %get3A_27 = vector.load %arg4[%get3A_25, %get3A_26] : memref<1x128xf32, #tpu.memory_space<vmem>>, vector<1x128xf32>
    %add3A_28 = vector.broadcast %get3A_27 : vector<1x128xf32> to vector<10000x128xf32>
    %add3A_29 = arith.addf %mul3A_24, %add3A_28 : vector<10000x128xf32>
    %reduce_sum3A = arith.constant dense<0.000000e+00> : vector<128xf32>
    %reduce_sum3A_30 = vector.multi_reduction <add>, %add3A_29, %reduce_sum3A [0] : vector<10000x128xf32> to vector<128xf32>
    %broadcast_in_dim3A = vector.shape_cast %reduce_sum3A_30 : vector<128xf32> to vector<1x128xf32>
    %div3A = arith.constant 1.000000e+04 : f32
    %div3A_31 = vector.broadcast %div3A : f32 to vector<1x128xf32>
    %div3A_32 = arith.divf %broadcast_in_dim3A, %div3A_31 : vector<1x128xf32>
    %sub3A = vector.broadcast %div3A_32 : vector<1x128xf32> to vector<10000x128xf32>
    %sub3A_33 = arith.subf %add3A_29, %sub3A : vector<10000x128xf32>
    %sub3A_34 = vector.broadcast %div3A_32 : vector<1x128xf32> to vector<10000x128xf32>
    %sub3A_35 = arith.subf %add3A_29, %sub3A_34 : vector<10000x128xf32>
    %mul3A_36 = arith.mulf %sub3A_33, %sub3A_35 : vector<10000x128xf32>
    %reduce_sum3A_37 = arith.constant dense<0.000000e+00> : vector<128xf32>
    %reduce_sum3A_38 = vector.multi_reduction <add>, %mul3A_36, %reduce_sum3A_37 [0] : vector<10000x128xf32> to vector<128xf32>
    %broadcast_in_dim3A_39 = vector.shape_cast %reduce_sum3A_38 : vector<128xf32> to vector<1x128xf32>
    %div3A_40 = arith.constant 1.000000e+04 : f32
    %div3A_41 = vector.broadcast %div3A_40 : f32 to vector<1x128xf32>
    %div3A_42 = arith.divf %broadcast_in_dim3A_39, %div3A_41 : vector<1x128xf32>
    %get3A_43 = arith.constant 0 : index
    %get3A_44 = arith.constant 0 : index
    %get3A_45 = vector.load %arg5[%get3A_43, %get3A_44] : memref<1x128xf32, #tpu.memory_space<vmem>>, vector<1x128xf32>
    %sub3A_46 = vector.broadcast %div3A_32 : vector<1x128xf32> to vector<10000x128xf32>
    %sub3A_47 = arith.subf %add3A_29, %sub3A_46 : vector<10000x128xf32>
    %mul3A_48 = vector.broadcast %get3A_45 : vector<1x128xf32> to vector<10000x128xf32>
    %mul3A_49 = arith.mulf %mul3A_48, %sub3A_47 : vector<10000x128xf32>
    %add3A_50 = arith.constant 9.99999974E-6 : f32
    %add3A_51 = vector.broadcast %add3A_50 : f32 to vector<1x128xf32>
    %add3A_52 = arith.addf %div3A_42, %add3A_51 : vector<1x128xf32>
    %rsqrt3A_53 = math.rsqrt %add3A_52 : vector<1x128xf32>
    %mul3A_54 = vector.broadcast %rsqrt3A_53 : vector<1x128xf32> to vector<10000x128xf32>
    %mul3A_55 = arith.mulf %mul3A_49, %mul3A_54 : vector<10000x128xf32>
    %get3A_56 = arith.constant 0 : index
    %get3A_57 = arith.constant 0 : index
    %get3A_58 = vector.load %arg6[%get3A_56, %get3A_57] : memref<1x128xf32, #tpu.memory_space<vmem>>, vector<1x128xf32>
    %add3A_59 = vector.broadcast %get3A_58 : vector<1x128xf32> to vector<10000x128xf32>
    %add3A_60 = arith.addf %mul3A_55, %add3A_59 : vector<10000x128xf32>
    %max3A = arith.constant 0.000000e+00 : f32
    %max3A_61 = vector.broadcast %max3A : f32 to vector<10000x128xf32>
    %max3A_62 = arith.maximumf %add3A_60, %max3A_61 : vector<10000x128xf32>
    %get3A_63 = arith.constant 0 : index
    %get3A_64 = arith.constant 0 : index
    %get3A_65 = vector.load %arg3[%get3A_63, %get3A_64] : memref<10000x128xf32, #tpu.memory_space<vmem>>, vector<10000x128xf32>
    %add3A_66 = arith.addf %max3A_62, %get3A_65 : vector<10000x128xf32>
    %swap3A = arith.constant 0 : index
    %swap3A_67 = arith.constant 0 : index
    %swap3A_68 = vector.load %arg7[%swap3A, %swap3A_67] : memref<10000x128xf32, #tpu.memory_space<vmem>>, vector<10000x128xf32>
    tpu.vector_store %arg7[%swap3A, %swap3A_67], %add3A_66 {strides = array<i32>} : memref<10000x128xf32, #tpu.memory_space<vmem>>, vector<10000x128xf32>,
    return
  }
}

</mosaic_0001>

<sc_bundles>
// kernel: kernel.6.cloned.1.call-start
scs
__scs_entry_jumppad:
0x0: {  	(pc) =	sbr.rel $0x88, $3  }
0x1: {  	(tag) =	ssettag $0x0;
	lr =	simm.s32 $0x1  }
0x2: {  	[smem:$0x3F9B] =	sst lr;
	_ =	strace $0xD0000000  }
0x3: {  	_ = 	snop  }
0x4: {  	_ = 	snop  }
0x5: {  	_ = 	snop  }
0x6: {  	_ = 	snop  }
0x7: {  	_ = 	snop  }
__scs_overlays_trampoline_lowered:
0x8: {  	[smem:$0x3FAA] =	sst s0  }
0x9: {  	[smem:$0x3FAB] =	sst s1  }
0xa: {  	[smem:$0x3FAC] =	sst s2  }
0xb: {  	[smem:$0x3FAD] =	sst s3  }
0xc: {  	[smem:$0x3FAE] =	sst s4  }
0xd: {  	[smem:$0x3FAF] =	sst s5  }
0xe: {  	[smem:$0x3FB0] =	sst s6  }
0xf: {  	[smem:$0x3FB1] =	sst s7  }
0x10: {  	[smem:$0x3FB2] =	sst s8  }
0x11: {  	[smem:$0x3FB3] =	sst s9;
	s0 =	simm.s32 @!p0 $0x0  }
0x12: {  	s1 =	sld [smem:$0x3F99];
	s0 =	simm.s32 @p0 $0x1  }
0x13: {  	[smem:$0x3FB4] =	sst s0;
	s0 =	simm.s32 @!p1 $0x0  }
0x14: {  	s2 =	sld [smem:$0x3F98];
	s0 =	simm.s32 @p1 $0x1  }
0x15: {  	[smem:$0x3FB5] =	sst s0;
	s0 =	simm.s32 @!p2 $0x0  }
0x16: {  	s3 =	sld [smem:$0x3FDB];
	s0 =	simm.s32 @p2 $0x1  }
0x17: {  	s4 =	simm.s32 $0x1BF5;
	[smem:$0x3FB7] =	sst s0  }
0x18: {  	s0 =	sld [smem:$0x3F9A];
	_ =	swait.ge [sflag:s4], $0x0  }
0x19: {  	s7 =	sld [smem:$0x3F9B]  }
0x1a: {  	s8 =	sadd.s32 $0xFFFFE003, lr  }
0x1b: {  	s9 =	sadd.s32 $0xFFFFFEF7, lr;
	s5 =	simm.s32 $0xFFFFFFFF;
	p2 =	slt.u32 s8, $0xFFFFF086  }
0x1c: {  	p1 =	slt.u32 s9, $0xF7A;
	s5 =	simm.s32 @!p2 $0x0  }
0x1d: {  	s5 =	simm.s32 @p1 $0x1;
	p0 =	seq.s32 s7, s2  }
0x1e: {  	s7 =	smul.u32 @!p0 $0xF7A, s2;
	p2 =	seq.s32 @!p0 s5, $0x0  }
0x1f: {  	s9 =	smul.u32 $0xF7A, s1;
	s8 =	simm.s32 @!p0 $0x1BF5;
	p2 =	por !p2, p0  }
0x20: {  	[sflag:s8] =	ssyncset.s32 @!p0 $0xFFFFF086;
	s6 =	sadd.s32 @!p0 s3, s7;
	s7 =	simm.s32 @!p0 $0x108  }
0x21: {  	s3 =	sadd.s32 s3, s9;
	s6 =	sadd.s32 @!p0 $0x88, s6;
	s7 =	simm.s32 @p2 $0x1082  }
0x22: {  	[simem:s7], [sflag:s8] =	dma.local @!p0 [hbm:s6], $0xF7A  }
0x23: {  	s9 =	sor.u32 $0xD0000000, s2;
	s6 =	simm.s32 $0x108;
	_ =	swait.ge @!p0 [sflag:s8], $0x0  }
0x24: {  	s3 =	sadd.s32 $0x88, s3;
	s6 =	simm.s32 @!p1 $0x1082;
	[sflag:s4] =	ssyncset.s32 $0xFFFFF086  }
0x25: {  	[simem:s6], [sflag:s4] =	dma.local [hbm:s3], $0xF7A  }
0x26: {  	[smem:$0x3F9B] =	sst s1;
	(tag) =	ssettag s2;
	_ =	strace s9  }
0x27: {  	s1 =	sld [smem:$0x3FAB]  }
0x28: {  	s2 =	sld [smem:$0x3FAC]  }
0x29: {  	s4 =	sld [smem:$0x3FAE]  }
0x2a: {  	p0 =	seq.s32 s5, $0x0;
	s5 =	sld [smem:$0x3FAF]  }
0x2b: {  	s6 =	sld [smem:$0x3FB0]  }
0x2c: {  	s7 =	sld [smem:$0x3FB1]  }
0x2d: {  	s3 =	simm.s32 $0x108;
	s8 =	sld [smem:$0x3FB2]  }
0x2e: {  	s3 =	simm.s32 @!p0 $0x1082;
	s9 =	sld [smem:$0x3FB3]  }
0x2f: {  	lr =	sadd.s32 s0, s3;
	s0 =	sld [smem:$0x3FAA]  }
0x30: {  	s3 =	sld [smem:$0x3FAD]  }
0x31: {  	[smem:$0x3FB6] =	sst s10  }
0x32: {  	s10 =	sld [smem:$0x3FB4];
	_ =	sdelay $0x3  }
0x33: {  	p0 =	seq.s32 s10, $0x1;
	s10 =	sld [smem:$0x3FB6];
	_ =	sdelay $0x3  }
0x34: {  	[smem:$0x3FB6] =	sst s10  }
0x35: {  	s10 =	sld [smem:$0x3FB5];
	_ =	sdelay $0x3  }
0x36: {  	p1 =	seq.s32 s10, $0x1;
	s10 =	sld [smem:$0x3FB6];
	_ =	sdelay $0x3  }
0x37: {  	[smem:$0x3FB6] =	sst s10  }
0x38: {  	s10 =	sld [smem:$0x3FB7]  }
0x39: {  	_ = 	snop;
	(pc) =	sbr.ind lr, $3  }
0x3a: {  	_ = 	snop  }
0x3b: {  	_ = 	snop  }
0x3c: {  	p2 =	seq.s32 s10, $0x1;
	s10 =	sld [smem:$0x3FB6]  }
0x3d: {  	_ =	shalt  }
0x3e: {  	_ =	shalt  }
0x3f: {  	_ =	shalt  }
0x40: {  	_ =	shalt  }
0x41: {  	_ =	shalt  }
0x42: {  	_ =	shalt  }
0x43: {  	_ =	shalt  }
0x44: {  	_ =	shalt  }
0x45: {  	_ =	shalt  }
0x46: {  	_ =	shalt  }
0x47: {  	_ =	shalt  }
0x48: {  	_ =	shalt  }
0x49: {  	_ =	shalt  }
0x4a: {  	_ =	shalt  }
0x4b: {  	_ =	shalt  }
0x4c: {  	_ =	shalt  }
0x4d: {  	_ =	shalt  }
0x4e: {  	_ =	shalt  }
0x4f: {  	_ =	shalt  }
0x50: {  	_ =	shalt  }
0x51: {  	_ =	shalt  }
0x52: {  	_ =	shalt  }
0x53: {  	_ =	shalt  }
0x54: {  	_ =	shalt  }
0x55: {  	_ =	shalt  }
0x56: {  	_ =	shalt  }
0x57: {  	_ =	shalt  }
0x58: {  	_ =	shalt  }
0x59: {  	_ =	shalt  }
0x5a: {  	_ =	shalt  }
0x5b: {  	_ =	shalt  }
0x5c: {  	_ =	shalt  }
0x5d: {  	_ =	shalt  }
0x5e: {  	_ =	shalt  }
0x5f: {  	_ =	shalt  }
0x60: {  	_ =	shalt  }
0x61: {  	_ =	shalt  }
0x62: {  	_ =	shalt  }
0x63: {  	_ =	shalt  }
0x64: {  	_ =	shalt  }
0x65: {  	_ =	shalt  }
0x66: {  	_ =	shalt  }
0x67: {  	_ =	shalt  }
0x68: {  	_ =	shalt  }
0x69: {  	_ =	shalt  }
0x6a: {  	_ =	shalt  }
0x6b: {  	_ =	shalt  }
0x6c: {  	_ =	shalt  }
0x6d: {  	_ =	shalt  }
0x6e: {  	_ =	shalt  }
0x6f: {  	_ =	shalt  }
0x70: {  	_ =	shalt  }
0x71: {  	_ =	shalt  }
0x72: {  	_ =	shalt  }
0x73: {  	_ =	shalt  }
0x74: {  	_ =	shalt  }
0x75: {  	_ =	shalt  }
0x76: {  	_ =	shalt  }
0x77: {  	_ =	shalt  }
0x78: {  	_ =	shalt  }
0x79: {  	_ =	shalt  }
0x7a: {  	_ =	shalt  }
0x7b: {  	_ =	shalt  }
0x7c: {  	_ =	shalt  }
0x7d: {  	_ =	shalt  }
0x7e: {  	_ =	shalt  }
0x7f: {  	_ =	shalt  }
0x80: {  	_ =	shalt  }
0x81: {  	_ =	shalt  }
0x82: {  	_ =	shalt  }
0x83: {  	_ =	shalt  }
0x84: {  	_ =	shalt  }
0x85: {  	_ =	shalt  }
0x86: {  	_ =	shalt  }
0x87: {  	_ =	shalt  }
.Lfunc_end0:
.L_simem_size_0:
called_computation_lowered:
.L_overlay_start_0:
0x88: {  	s2 =	sld [smem:$0x3FD9]  }
0x89: {  	s3 =	sld [smem:$0x3FFE];
	_ =	sdelay $0x1  }
0x8a: {  	s1 =	srdreg.scid  }
0x8b: {  	s0 =	sand.u32 $0x1, s1  }
0x8c: {  	s17 =	sshll.u32 s0, $0xA;
	s2 =	sadd.s32 s3, s2  }
0x8d: {  	s2 =	sadd.s32 s2, s17  }
0x8e: {  	[smem:$0x3FC2] =	sst s2  }
0x8f: {  	_ = 	snop  }
0x90: {  	s2 =	sld [smem:$0x3FD0];
	(tm) =	ssettm $0x1  }
0x91: {  	s18 =	sld [smem:$0x3FFB];
	_ =	sdelay $0x3  }
0x92: {  	_ =	strace s18  }
0x93: {  	s3 =	sld [smem:$0x3FFC];
	_ =	sdelay $0x3  }
0x94: {  	_ =	strace s3  }
0x95: {  	s3 =	sld [smem:$0x3FFD];
	_ =	sdelay $0x3  }
0x96: {  	_ =	strace s3  }
0x97: {  	_ =	strace $0x8FFFFFFF  }
0x98: {  	s19 =	sld [smem:$0x3FDB];
	_ =	sdelay $0x1  }
0x99: {  	s4 =	simm.s32 $_scs_section_size  }
0x9a: {  	s5 =	simm.s32 $_size__tile_overlayer_lowered;
	s6 =	simm.s32 $_tile_overlayer_lowered  }
0x9b: {  	s22 =	simm.s32 $0x1BFF;
	s21 =	sshll.u32 s6, $0x1;
	s3 =	sadd.s32 s4, s19  }
0x9c: {  	s7 =	simm.s32 $0x0;
	s20 =	sshll.u32 s5, $0x1;
	s5 =	sadd.s32 s21, s3  }
0x9d: {  	[timem:s7], [sflag:s22] =	dma.local [hbm:s5], s20  }
0x9e: {  	_ =	swait.ge [sflag:s22], s20  }
0x9f: {  	s4 =	ssub.s32 $0x0, s20;
	[sflag:s22] =	ssyncset.done $0x0  }
0xa0: {  	[sflag:s22] =	ssyncadd.s32 s4;
	_ =	sdelay $0x1  }
0xa1: {  	s23 =	simm.s32 $0x1B8B  }
0xa2: {  	_ =	swait.ge [sflag:s23], $0x1  }
0xa3: {  	[sflag:s23] =	ssyncset.done $0x0  }
0xa4: {  	s25 =	simm.s32 $0x1B8E;
	s24 =	sld [smem:$0x3FFE];
	[sflag:s23] =	ssyncadd.s32 $0xFFFFFFFF  }
0xa5: {  	s26 =	simm.s32 $execute0_lowered;
	[smem:$0x3FD2] =	sst s25  }
0xa6: {  	s5 =	sshll.u32 s26, $0x1;
	_ =	strace $0x80000046;
	[dreg:$0x1] =	wrdreg $0xFFFFFFFF  }
0xa7: {  	s28 =	simm.s32 $_size_execute0_lowered;
	s3 =	sadd.s32 s3, s5;
	[dreg:$0x0] =	wrdreg $0x0  }
0xa8: {  	s5 =	sshll.u32 s28, $0x1;
	[dreg:$0x2] =	wrdreg s3  }
0xa9: {  	[dreg:$0x3] =	wrdreg s5  }
0xaa: {  	[dreg:$0x4] =	wrdreg $0xC0  }
0xab: {  	_ =	task [dreg:s7], $0x5FFFF  }
0xac: {  	[dreg:$0x1] =	wrdreg $0xFFFFFFFF  }
0xad: {  	[dreg:$0x0] =	wrdreg $0x60  }
0xae: {  	[dreg:$0x2] =	wrdreg s2  }
0xaf: {  	[dreg:$0x3] =	wrdreg s24  }
0xb0: {  	[dreg:$0x4] =	wrdreg $0x28800  }
0xb1: {  	[dreg:$0x5] =	wrdreg $0x9  }
0xb2: {  	_ =	task.clear_ibuf [dreg:s7], $0x6FFFF;
	_ =	strace $0x90000046  }
0xb3: {  	s29 =	simm.s32 $0x9;
	_ =	strace $0x80000048  }
0xb4: {  	_ =	swait.ge [sflag:s29], $0x1  }
0xb5: {  	[sflag:s29] =	ssyncadd.s32 $0xFFFFFFFF  }
0xb6: {  	_ =	strace $0x90000048  }
0xb7: {  	_ =	sfence  }
0xb8: {  	s30 =	sld [smem:$0x0];
	_ =	sdelay $0x2  }
0xb9: {  	s31 =	sshll.u32 s1, $0xD;
	s1 =	sshrl.u32 s1, $0x2  }
0xba: {  	s3 =	sand.u32 $0x4000, s31;
	s1 =	sadd.s32 s1, s30  }
0xbb: {  	s0 =	sor.u32 s3, s0;
	s1 =	sshll.u32 s1, $0x11  }
0xbc: {  	s0 =	sor.u32 s1, s0  }
0xbd: {  	s0 =	sadd.s32 $0x8F2B, s0  }
0xbe: {  	[sflag:s0] =	ssyncadd.remote.s32 $0x1  }
0xbf: {  	_ =	sfence.sel $0xFFFF  }
0xc0: {  	[dreg:$0x0] =	wrdreg $0xFFFFFFFF;
	(pc) =	sbr.abs _section_cstart, $3  }
0xc1: {  	[dreg:$0x1] =	wrdreg $0xFFFFFFFF  }
0xc2: {  	_ =	task.clear_ibuf [dreg:s7], $0x2FFFF;
	_ =	strace $0x9FFFFFFF  }
0xc3: {  	(tm) =	ssettm $0x7FFFFFFF  }
tec
execute0_lowered:
.L_overlay_start_1:
0x0: {  	(tag) =	ssettag $0x1  }
0x1: {  	s4 =	rddreg [dreg:$0x0]  }
0x2: {  	s5 =	rddreg [dreg:$0x1]  }
0x3: {  	s2 =	rddreg [dreg:$0x2]  }
0x4: {  	s0 =	rddreg [dreg:$0x3];
	s1 =	stileid.u32  }
0x5: {  	s3 =	simm.s32 $0x0;
	s7 =	srdreg.scid;
	s12 =	simm.s32 $0x2800  }
0x6: {  	s13 =	simm.s32 $0x20;
	s14 =	simm.s32 $0x10;
	s15 =	simm.s32 $0x0  }
0x7: {  	s6 =	smul.u32 $0x280, s1;
	[smem:$0x7FF] =	sst s3;
	s7 =	sand.u32 $0x1, s7  }
0x8: {  	s8 =	smul.u32 $0x500, s1;
	s31 =	sshll.u32 s1, $0x6;
	_ =	strace $0x80000047  }
0x9: {  	s9 =	sshll.u32 s7, $0x7;
	s10 =	sshll.u32 s7, $0x4;
	s7 =	ssub.s32 $0x2, s7  }
0xa: {  	s11 =	sshrl.u32 s6, $0x3;
	s8 =	sor.u32 s9, s8;
	s26 =	sor.u32 s1, s10  }
0xb: {  	s29 =	sshrl.u32 s7, $0x1;
	s30 =	sadd.s32 s6, s2;
	s8 =	sshrl.u32 s8, $0x3  }
0xc: {  	s9 =	smul.u32 $0x500, s26;
	s28 =	sadd.s32 s11, s5;
	s7 =	ssub.s32 s7, s29  }
0xd: {  	s10 =	sshrl.u32 s30, $0x3;
	s11 =	simm.s32 $0x7D;
	s8 =	sadd.s32 s8, s5  }
0xe: {  	s5 =	sadd.s32 $0x1400, s28;
	s7 =	smax.u32 s7, $0x1;
	s4 =	sadd.s32 s4, s9  }
0xf: {  	v0 =	vimm.f32 $1.000000000e+00;
	s6 =	sadd.s32 $0x1A00, s8;
	s8 =	simm.s32 $0x1;
	s9 =	sor.u32 $0x1C01, s31  }
.LBB2_1:
0x10: {  	[tilespmem:s3], [sflag:$0x1] =	stream.linear.gather [hbm4b:s4+s3], $0x2800, $0x38;
	[tilespmem:$0x2B00] =	vst v63  }
0x11: {  	_ =	swait.ge [sflag:s8], $0x2800  }
0x12: {  	[sflag:s8] =	ssyncset.done $0x0  }
0x13: {  	[sflag:s8] =	ssyncadd.s32 $0xFFFFD800  }
0x14: {  	[tilespmem:$0x2800] =	vst v0  }
0x15: {  	[tilespmem:$0x2810] =	vst v0  }
0x16: {  	[tilespmem:$0x2820] =	vst v0  }
0x17: {  	[tilespmem:$0x2830] =	vst v0  }
0x18: {  	[tilespmem:$0x2840] =	vst v0  }
0x19: {  	[tilespmem:$0x2850] =	vst v0  }
0x1a: {  	[tilespmem:$0x2860] =	vst v0  }
0x1b: {  	[tilespmem:$0x2870] =	vst v0  }
0x1c: {  	[spmem:s10], [sflag:s9] =	dma.local [hbm:s5], $0x50  }
0x1d: {  	_ =	swait.ge [sflag:s8], $0x50  }
0x1e: {  	[sflag:s8] =	ssyncset.done $0x0  }
0x1f: {  	[sflag:s8] =	ssyncadd.s32 $0xFFFFFFB0  }
0x20: {  	s16 =	simm.s32 $0x0;
	[bflag:$0x0] =	sbarrier.arrive $0xFFFF  }
0x21: {  	[spmem:s2] =	stream.indirect.scatter.add.f32 [tilespmem:s12], [sflag:$0x1], $0x1, s16, s11, $0xb8;
	[tilespmem:$0x2B00] =	vst v63  }
0x22: {  	_ =	swait.ge [sflag:s8], $0x7D  }
0x23: {  	s16 =	simm.s32 $0x200;
	[sflag:s8] =	ssyncset.done $0x0  }
.LBB2_2:
0x24: {  	s17 =	sshra.s32 s16, $0x2;
	[sflag:s8] =	ssyncadd.s32 $0xFFFFFF83;
	p0 =	sne.s32 s16, $0x9E00  }
0x25: {  	[spmem:s2] =	stream.indirect.scatter.add.f32 [tilespmem:s12], [sflag:$0x1], $0x1, s17, s11, $0xb8;
	[tilespmem:$0x2B00] =	vst v63  }
.Ltmp0:
0x26: {  	_ = 	snop;
	(pc) =	sbr.rel @p0 .LBB2_2-.Ltmp0, $4  }
0x27: {  	_ = 	snop  }
0x28: {  	s16 =	sadd.s32 $0x200, s16  }
0x29: {  	_ =	swait.ge [sflag:s8], $0x7D  }
0x2a: {  	[sflag:s8] =	ssyncset.done $0x0  }
0x2b: {  	s15 =	sadd.s32 $0x1, s15  }
0x2c: {  	[sflag:s8] =	ssyncadd.s32 $0xFFFFFF83;
	p0 =	sne.s32 s15, s7  }
.Ltmp1:
0x2d: {  	[bflag:$0x0] =	sbarrier.arrive $0xFFFF;
	(pc) =	sbr.rel @p0 .LBB2_1-.Ltmp1, $4  }
0x2e: {  	[hbm:s6@s13], [sflag:s9] =	dma.strided [spmem:s10@s14], $0x50, s8, $0x10   }
0x2f: {  	_ =	swait.ge [sflag:s8], $0x50  }
0x30: {  	[sflag:s8] =	ssyncset.done $0x0  }
0x31: {  	[sflag:s8] =	ssyncadd.s32 $0xFFFFFFB0  }
0x32: {  	_ =	sfence.sel $0x180000  }
0x33: {  	[bflag:$0x0] =	sbarrier.arrive $0xFFFF  }
0x34: {  	p0 =	sne.s32 s1, $0x0;
	_ =	strace $0x90000047  }
0x35: {  	s0 =	sadd.s32 @!p0 $0x100000, s0;
	[bflag:$0x2] =	sbarrier.arrive $0xFFFF  }
0x36: {  	[sflag:s0] =	ssyncadd.tile.s32 @!p0 $0x1;
	_ =	shalt  }
.Lfunc_end2:
_tile_overlayer_lowered:
.L_overlay_start_2:
0x37: {  	(tag) =	ssettag $0x2  }
0x38: {  	s0 =	rddreg [dreg:$0x0];
	s2 =	stileid.u32  }
0x39: {  	s1 =	rddreg [dreg:$0x1];
	p0 =	sne.s32 s2, $0x0  }
0x3a: {  	s3 =	rddreg [dreg:$0x2];
	[bflag:$0x3] =	sbarrier.arrive $0xFFFF;
	s2 =	simm.s32 @!p0 $0x1C01  }
0x3b: {  	[timem:s3], [sflag:s2] =	dma.local @!p0 [hbm:s0], s1  }
0x3c: {  	s0 =	simm.s32 @!p0 $0x1  }
0x3d: {  	_ =	swait.ge @!p0 [sflag:s0], s1  }
0x3e: {  	s1 =	ssub.s32 @!p0 $0x0, s1;
	[sflag:s0] =	ssyncset.done @!p0 $0x0  }
0x3f: {  	[sflag:s0] =	ssyncadd.s32 @!p0 s1  }
0x40: {  	[bflag:$0x3] =	sbarrier.arrive $0xFFFF  }
0x41: {  	_ =	shalt  }

// kernel: kernel.9.cloned.1.call-start
scs
__scs_entry_jumppad:
0x0: {  	(pc) =	sbr.rel $0x88, $3  }
0x1: {  	(tag) =	ssettag $0x0;
	lr =	simm.s32 $0x1  }
0x2: {  	[smem:$0x3F9B] =	sst lr;
	_ =	strace $0xD0000000  }
0x3: {  	_ = 	snop  }
0x4: {  	_ = 	snop  }
0x5: {  	_ = 	snop  }
0x6: {  	_ = 	snop  }
0x7: {  	_ = 	snop  }
__scs_overlays_trampoline_lowered:
0x8: {  	[smem:$0x3FAA] =	sst s0  }
0x9: {  	[smem:$0x3FAB] =	sst s1  }
0xa: {  	[smem:$0x3FAC] =	sst s2  }
0xb: {  	[smem:$0x3FAD] =	sst s3  }
0xc: {  	[smem:$0x3FAE] =	sst s4  }
0xd: {  	[smem:$0x3FAF] =	sst s5  }
0xe: {  	[smem:$0x3FB0] =	sst s6  }
0xf: {  	[smem:$0x3FB1] =	sst s7  }
0x10: {  	[smem:$0x3FB2] =	sst s8  }
0x11: {  	[smem:$0x3FB3] =	sst s9;
	s0 =	simm.s32 @!p0 $0x0  }
0x12: {  	s1 =	sld [smem:$0x3F99];
	s0 =	simm.s32 @p0 $0x1  }
0x13: {  	[smem:$0x3FB4] =	sst s0;
	s0 =	simm.s32 @!p1 $0x0  }
0x14: {  	s2 =	sld [smem:$0x3F98];
	s0 =	simm.s32 @p1 $0x1  }
0x15: {  	[smem:$0x3FB5] =	sst s0;
	s0 =	simm.s32 @!p2 $0x0  }
0x16: {  	s3 =	sld [smem:$0x3FDB];
	s0 =	simm.s32 @p2 $0x1  }
0x17: {  	s4 =	simm.s32 $0x1BF5;
	[smem:$0x3FB7] =	sst s0  }
0x18: {  	s0 =	sld [smem:$0x3F9A];
	_ =	swait.ge [sflag:s4], $0x0  }
0x19: {  	s7 =	sld [smem:$0x3F9B]  }
0x1a: {  	s8 =	sadd.s32 $0xFFFFE003, lr  }
0x1b: {  	s9 =	sadd.s32 $0xFFFFFEF7, lr;
	s5 =	simm.s32 $0xFFFFFFFF;
	p2 =	slt.u32 s8, $0xFFFFF086  }
0x1c: {  	p1 =	slt.u32 s9, $0xF7A;
	s5 =	simm.s32 @!p2 $0x0  }
0x1d: {  	s5 =	simm.s32 @p1 $0x1;
	p0 =	seq.s32 s7, s2  }
0x1e: {  	s7 =	smul.u32 @!p0 $0xF7A, s2;
	p2 =	seq.s32 @!p0 s5, $0x0  }
0x1f: {  	s9 =	smul.u32 $0xF7A, s1;
	s8 =	simm.s32 @!p0 $0x1BF5;
	p2 =	por !p2, p0  }
0x20: {  	[sflag:s8] =	ssyncset.s32 @!p0 $0xFFFFF086;
	s6 =	sadd.s32 @!p0 s3, s7;
	s7 =	simm.s32 @!p0 $0x108  }
0x21: {  	s3 =	sadd.s32 s3, s9;
	s6 =	sadd.s32 @!p0 $0x88, s6;
	s7 =	simm.s32 @p2 $0x1082  }
0x22: {  	[simem:s7], [sflag:s8] =	dma.local @!p0 [hbm:s6], $0xF7A  }
0x23: {  	s9 =	sor.u32 $0xD0000000, s2;
	s6 =	simm.s32 $0x108;
	_ =	swait.ge @!p0 [sflag:s8], $0x0  }
0x24: {  	s3 =	sadd.s32 $0x88, s3;
	s6 =	simm.s32 @!p1 $0x1082;
	[sflag:s4] =	ssyncset.s32 $0xFFFFF086  }
0x25: {  	[simem:s6], [sflag:s4] =	dma.local [hbm:s3], $0xF7A  }
0x26: {  	[smem:$0x3F9B] =	sst s1;
	(tag) =	ssettag s2;
	_ =	strace s9  }
0x27: {  	s1 =	sld [smem:$0x3FAB]  }
0x28: {  	s2 =	sld [smem:$0x3FAC]  }
0x29: {  	s4 =	sld [smem:$0x3FAE]  }
0x2a: {  	p0 =	seq.s32 s5, $0x0;
	s5 =	sld [smem:$0x3FAF]  }
0x2b: {  	s6 =	sld [smem:$0x3FB0]  }
0x2c: {  	s7 =	sld [smem:$0x3FB1]  }
0x2d: {  	s3 =	simm.s32 $0x108;
	s8 =	sld [smem:$0x3FB2]  }
0x2e: {  	s3 =	simm.s32 @!p0 $0x1082;
	s9 =	sld [smem:$0x3FB3]  }
0x2f: {  	lr =	sadd.s32 s0, s3;
	s0 =	sld [smem:$0x3FAA]  }
0x30: {  	s3 =	sld [smem:$0x3FAD]  }
0x31: {  	[smem:$0x3FB6] =	sst s10  }
0x32: {  	s10 =	sld [smem:$0x3FB4];
	_ =	sdelay $0x3  }
0x33: {  	p0 =	seq.s32 s10, $0x1;
	s10 =	sld [smem:$0x3FB6];
	_ =	sdelay $0x3  }
0x34: {  	[smem:$0x3FB6] =	sst s10  }
0x35: {  	s10 =	sld [smem:$0x3FB5];
	_ =	sdelay $0x3  }
0x36: {  	p1 =	seq.s32 s10, $0x1;
	s10 =	sld [smem:$0x3FB6];
	_ =	sdelay $0x3  }
0x37: {  	[smem:$0x3FB6] =	sst s10  }
0x38: {  	s10 =	sld [smem:$0x3FB7]  }
0x39: {  	_ = 	snop;
	(pc) =	sbr.ind lr, $3  }
0x3a: {  	_ = 	snop  }
0x3b: {  	_ = 	snop  }
0x3c: {  	p2 =	seq.s32 s10, $0x1;
	s10 =	sld [smem:$0x3FB6]  }
0x3d: {  	_ =	shalt  }
0x3e: {  	_ =	shalt  }
0x3f: {  	_ =	shalt  }
0x40: {  	_ =	shalt  }
0x41: {  	_ =	shalt  }
0x42: {  	_ =	shalt  }
0x43: {  	_ =	shalt  }
0x44: {  	_ =	shalt  }
0x45: {  	_ =	shalt  }
0x46: {  	_ =	shalt  }
0x47: {  	_ =	shalt  }
0x48: {  	_ =	shalt  }
0x49: {  	_ =	shalt  }
0x4a: {  	_ =	shalt  }
0x4b: {  	_ =	shalt  }
0x4c: {  	_ =	shalt  }
0x4d: {  	_ =	shalt  }
0x4e: {  	_ =	shalt  }
0x4f: {  	_ =	shalt  }
0x50: {  	_ =	shalt  }
0x51: {  	_ =	shalt  }
0x52: {  	_ =	shalt  }
0x53: {  	_ =	shalt  }
0x54: {  	_ =	shalt  }
0x55: {  	_ =	shalt  }
0x56: {  	_ =	shalt  }
0x57: {  	_ =	shalt  }
0x58: {  	_ =	shalt  }
0x59: {  	_ =	shalt  }
0x5a: {  	_ =	shalt  }
0x5b: {  	_ =	shalt  }
0x5c: {  	_ =	shalt  }
0x5d: {  	_ =	shalt  }
0x5e: {  	_ =	shalt  }
0x5f: {  	_ =	shalt  }
0x60: {  	_ =	shalt  }
0x61: {  	_ =	shalt  }
0x62: {  	_ =	shalt  }
0x63: {  	_ =	shalt  }
0x64: {  	_ =	shalt  }
0x65: {  	_ =	shalt  }
0x66: {  	_ =	shalt  }
0x67: {  	_ =	shalt  }
0x68: {  	_ =	shalt  }
0x69: {  	_ =	shalt  }
0x6a: {  	_ =	shalt  }
0x6b: {  	_ =	shalt  }
0x6c: {  	_ =	shalt  }
0x6d: {  	_ =	shalt  }
0x6e: {  	_ =	shalt  }
0x6f: {  	_ =	shalt  }
0x70: {  	_ =	shalt  }
0x71: {  	_ =	shalt  }
0x72: {  	_ =	shalt  }
0x73: {  	_ =	shalt  }
0x74: {  	_ =	shalt  }
0x75: {  	_ =	shalt  }
0x76: {  	_ =	shalt  }
0x77: {  	_ =	shalt  }
0x78: {  	_ =	shalt  }
0x79: {  	_ =	shalt  }
0x7a: {  	_ =	shalt  }
0x7b: {  	_ =	shalt  }
0x7c: {  	_ =	shalt  }
0x7d: {  	_ =	shalt  }
0x7e: {  	_ =	shalt  }
0x7f: {  	_ =	shalt  }
0x80: {  	_ =	shalt  }
0x81: {  	_ =	shalt  }
0x82: {  	_ =	shalt  }
0x83: {  	_ =	shalt  }
0x84: {  	_ =	shalt  }
0x85: {  	_ =	shalt  }
0x86: {  	_ =	shalt  }
0x87: {  	_ =	shalt  }
.Lfunc_end0:
.L_simem_size_0:
called_computation.1_lowered:
.L_overlay_start_0:
0x88: {  	s2 =	sld [smem:$0x3FD9]  }
0x89: {  	s3 =	sld [smem:$0x3FFE];
	_ =	sdelay $0x1  }
0x8a: {  	s1 =	srdreg.scid  }
0x8b: {  	s0 =	sand.u32 $0x1, s1  }
0x8c: {  	s17 =	sshll.u32 s0, $0xA;
	s2 =	sadd.s32 s3, s2  }
0x8d: {  	s2 =	sadd.s32 s2, s17  }
0x8e: {  	[smem:$0x3FC2] =	sst s2  }
0x8f: {  	_ = 	snop  }
0x90: {  	s2 =	sld [smem:$0x3FD0];
	(tm) =	ssettm $0x1  }
0x91: {  	s18 =	sld [smem:$0x3FFB];
	_ =	sdelay $0x3  }
0x92: {  	_ =	strace s18  }
0x93: {  	s3 =	sld [smem:$0x3FFC];
	_ =	sdelay $0x3  }
0x94: {  	_ =	strace s3  }
0x95: {  	s3 =	sld [smem:$0x3FFD];
	_ =	sdelay $0x3  }
0x96: {  	_ =	strace s3  }
0x97: {  	_ =	strace $0x8FFFFFFF  }
0x98: {  	s19 =	sld [smem:$0x3FDB];
	_ =	sdelay $0x1  }
0x99: {  	s4 =	simm.s32 $_scs_section_size  }
0x9a: {  	s5 =	simm.s32 $_size__tile_overlayer_lowered;
	s6 =	simm.s32 $_tile_overlayer_lowered  }
0x9b: {  	s22 =	simm.s32 $0x1BFF;
	s21 =	sshll.u32 s6, $0x1;
	s3 =	sadd.s32 s4, s19  }
0x9c: {  	s7 =	simm.s32 $0x0;
	s20 =	sshll.u32 s5, $0x1;
	s5 =	sadd.s32 s21, s3  }
0x9d: {  	[timem:s7], [sflag:s22] =	dma.local [hbm:s5], s20  }
0x9e: {  	_ =	swait.ge [sflag:s22], s20  }
0x9f: {  	s4 =	ssub.s32 $0x0, s20;
	[sflag:s22] =	ssyncset.done $0x0  }
0xa0: {  	[sflag:s22] =	ssyncadd.s32 s4;
	_ =	sdelay $0x1  }
0xa1: {  	s23 =	simm.s32 $0x1B8B  }
0xa2: {  	_ =	swait.ge [sflag:s23], $0x1  }
0xa3: {  	[sflag:s23] =	ssyncset.done $0x0  }
0xa4: {  	s25 =	simm.s32 $0x1B8E;
	s24 =	sld [smem:$0x3FFE];
	[sflag:s23] =	ssyncadd.s32 $0xFFFFFFFF  }
0xa5: {  	s26 =	simm.s32 $execute0_lowered;
	[smem:$0x3FD2] =	sst s25  }
0xa6: {  	s5 =	sshll.u32 s26, $0x1;
	_ =	strace $0x80000049;
	[dreg:$0x1] =	wrdreg $0xFFFFFFFF  }
0xa7: {  	s28 =	simm.s32 $_size_execute0_lowered;
	s3 =	sadd.s32 s3, s5;
	[dreg:$0x0] =	wrdreg $0x0  }
0xa8: {  	s5 =	sshll.u32 s28, $0x1;
	[dreg:$0x2] =	wrdreg s3  }
0xa9: {  	[dreg:$0x3] =	wrdreg s5  }
0xaa: {  	[dreg:$0x4] =	wrdreg $0xC0  }
0xab: {  	_ =	task [dreg:s7], $0x5FFFF  }
0xac: {  	[dreg:$0x1] =	wrdreg $0xFFFFFFFF  }
0xad: {  	[dreg:$0x0] =	wrdreg $0x60  }
0xae: {  	[dreg:$0x2] =	wrdreg s24  }
0xaf: {  	[dreg:$0x3] =	wrdreg s2  }
0xb0: {  	[dreg:$0x4] =	wrdreg $0xA8000  }
0xb1: {  	[dreg:$0x5] =	wrdreg $0x9  }
0xb2: {  	_ =	task.clear_ibuf [dreg:s7], $0x6FFFF;
	_ =	strace $0x90000049  }
0xb3: {  	s29 =	simm.s32 $0x9;
	_ =	strace $0x8000004B  }
0xb4: {  	_ =	swait.ge [sflag:s29], $0x1  }
0xb5: {  	[sflag:s29] =	ssyncadd.s32 $0xFFFFFFFF  }
0xb6: {  	_ =	strace $0x9000004B  }
0xb7: {  	_ =	sfence  }
0xb8: {  	s30 =	sld [smem:$0x0];
	_ =	sdelay $0x2  }
0xb9: {  	s31 =	sshll.u32 s1, $0xD;
	s1 =	sshrl.u32 s1, $0x2  }
0xba: {  	s3 =	sand.u32 $0x4000, s31;
	s1 =	sadd.s32 s1, s30  }
0xbb: {  	s0 =	sor.u32 s3, s0;
	s1 =	sshll.u32 s1, $0x11  }
0xbc: {  	s0 =	sor.u32 s1, s0  }
0xbd: {  	s0 =	sadd.s32 $0x8F2B, s0  }
0xbe: {  	[sflag:s0] =	ssyncadd.remote.s32 $0x1  }
0xbf: {  	_ =	sfence.sel $0xFFFF  }
0xc0: {  	[dreg:$0x0] =	wrdreg $0xFFFFFFFF;
	(pc) =	sbr.abs _section_cstart, $3  }
0xc1: {  	[dreg:$0x1] =	wrdreg $0xFFFFFFFF  }
0xc2: {  	_ =	task.clear_ibuf [dreg:s7], $0x2FFFF;
	_ =	strace $0x9FFFFFFF  }
0xc3: {  	(tm) =	ssettm $0x7FFFFFFF  }
tec
execute0_lowered:
.L_overlay_start_1:
0x0: {  	(tag) =	ssettag $0x1  }
0x1: {  	s5 =	rddreg [dreg:$0x0]  }
0x2: {  	s10 =	rddreg [dreg:$0x1]  }
0x3: {  	s2 =	rddreg [dreg:$0x2]  }
0x4: {  	s0 =	rddreg [dreg:$0x3];
	s3 =	simm.s32 $0x0;
	s1 =	stileid.u32  }
0x5: {  	s4 =	srdreg.scid;
	s16 =	simm.s32 $0x7D;
	s17 =	simm.s32 $0x2800  }
0x6: {  	s18 =	simm.s32 $0x1;
	s19 =	simm.s32 $0x6800;
	s20 =	simm.s32 $0x2  }
0x7: {  	s21 =	simm.s32 $0x1380;
	s22 =	simm.s32 $0x2700;
	s23 =	simm.s32 $0x2780  }
0x8: {  	s24 =	simm.s32 $0x0;
	[smem:$0x7FF] =	sst s3;
	s6 =	smul.u32 $0x14000, s1  }
0x9: {  	s7 =	sand.u32 $0x1, s4;
	s4 =	sadd.s32 $0xC400, s5;
	s9 =	sadd.s32 $0x2400, s5  }
0xa: {  	s12 =	smul.u32 $0x50000, s1;
	s30 =	sshll.u32 s1, $0x6;
	_ =	strace $0x8000004A  }
0xb: {  	s8 =	smul.u32 $0x140000, s7;
	s28 =	sshll.u32 s7, $0x4;
	s7 =	ssub.s32 $0x2, s7  }
0xc: {  	s11 =	sshrl.u32 s6, $0x3;
	s13 =	sshrl.u32 s7, $0x1;
	s29 =	sshrl.u32 s12, $0x2  }
0xd: {  	s11 =	sadd.s32 s11, s5;
	s6 =	sadd.s32 s6, s8;
	s8 =	sor.u32 s1, s28  }
0xe: {  	s13 =	ssub.s32 s7, s13;
	s15 =	sadd.s32 s29, s2;
	s6 =	sshrl.u32 s6, $0x3  }
0xf: {  	s8 =	smul.u32 $0x2800, s8;
	s12 =	smax.u32 s13, $0x1;
	s13 =	sshrl.u32 s15, $0x3  }
0x10: {  	s15 =	simm.s32 $0x1400;
	s14 =	sadd.s32 s6, s5;
	s5 =	sadd.s32 $0x34400, s11  }
0x11: {  	s6 =	sor.u32 $0x1C03, s30;
	s8 =	sshrl.u32 s8, $0x3;
	s11 =	sadd.s32 $0x5C400, s14  }
0x12: {  	s14 =	simm.s32 $0x3;
	s31 =	sadd.s32 $0x280, s8;
	s7 =	sadd.s32 s9, s8  }
0x13: {  	s8 =	sadd.s32 s10, s8;
	s9 =	sadd.s32 s9, s31;
	s10 =	sadd.s32 s10, s31  }
.LBB2_1:
0x14: {  	[spmem:s13], [sflag:s6] =	dma.local [hbm:s5], $0x2800  }
0x15: {  	_ =	swait.ge [sflag:s14], $0x2800  }
0x16: {  	[sflag:s14] =	ssyncset.done $0x0  }
0x17: {  	[sflag:s14] =	ssyncadd.s32 $0xFFFFD800  }
0x18: {  	[bflag:$0x0] =	sbarrier.arrive $0xFFFF  }
0x19: {  	[tilespmem:s3], [sflag:$0x3] =	stream.linear.gather [hbm4b:s7+s3], $0x1400, $0x38;
	[tilespmem:$0x1E800] =	vst v63  }
0x1a: {  	_ =	swait.ge [sflag:s14], $0x1400  }
0x1b: {  	[sflag:s14] =	ssyncset.done $0x0  }
0x1c: {  	[sflag:s14] =	ssyncadd.s32 $0xFFFFEC00  }
0x1d: {  	[tilespmem:s15], [sflag:$0x3] =	stream.linear.gather [hbm4b:s8+s3], $0x1400, $0x38;
	[tilespmem:$0x1E800] =	vst v63  }
0x1e: {  	_ =	swait.ge [sflag:s14], $0x1400  }
0x1f: {  	[sflag:s14] =	ssyncset.done $0x0  }
0x20: {  	[sflag:s14] =	ssyncadd.s32 $0xFFFFEC00  }
0x21: {  	[tilespmem:s17], [sflag:$0x1] =	stream.indirect.gather [hbm4b:s4+s16], $0x80, s3, s16, $0xb8;
	[tilespmem:$0x1E800] =	vst v63  }
0x22: {  	_ =	swait.ge [sflag:s18], $0x3E80  }
0x23: {  	[sflag:s18] =	ssyncset.done $0x0  }
0x24: {  	s25 =	simm.s32 $0x80;
	[sflag:s18] =	ssyncadd.s32 $0xFFFFC180  }
0x25: {  	[tilespmem:s19], [sflag:$0x2] =	stream.indirect.gather [hbm4b:s4+s16], $0x80, s25, s16, $0xb8;
	[tilespmem:$0x1E800] =	vst v63  }
0x26: {  	s29 =	simm.s32 $0x1400  }
0x27: {  	[spmem:s2] =	stream.indirect.scatter.add.f32 [tilespmem:s17], [sflag:$0x3], $0x80, s29, s16, $0xb8;
	[tilespmem:$0x1E800] =	vst v63  }
0x28: {  	_ =	swait.ge [sflag:s14], $0x3E80  }
0x29: {  	[sflag:s14] =	ssyncset.done $0x0  }
0x2a: {  	[sflag:s14] =	ssyncadd.s32 $0xFFFFC180  }
0x2b: {  	_ =	swait.ge [sflag:s20], $0x3E80  }
0x2c: {  	[sflag:s20] =	ssyncset.done $0x0  }
0x2d: {  	s30 =	simm.s32 $0x100;
	[sflag:s20] =	ssyncadd.s32 $0xFFFFC180  }
0x2e: {  	[tilespmem:s17], [sflag:$0x1] =	stream.indirect.gather [hbm4b:s4+s16], $0x80, s30, s16, $0xb8;
	[tilespmem:$0x1E800] =	vst v63  }
0x2f: {  	s31 =	simm.s32 $0x1480  }
0x30: {  	[spmem:s2] =	stream.indirect.scatter.add.f32 [tilespmem:s19], [sflag:$0x3], $0x80, s31, s16, $0xb8;
	[tilespmem:$0x1E800] =	vst v63  }
0x31: {  	_ =	swait.ge [sflag:s14], $0x3E80  }
0x32: {  	s25 =	simm.s32 $0x400;
	[sflag:s14] =	ssyncset.done $0x0  }
.LBB2_2:
0x33: {  	p0 =	sne.s32 s25, $0x4800  }
0x34: {  	[sflag:s14] =	ssyncadd.s32 $0xFFFFC180;
	s26 =	smov.u32 s25;
	s25 =	sadd.s32 $0x400, s25  }
0x35: {  	_ = 	snop  }
0x36: {  	_ =	swait.ge [sflag:s18], $0x3E80  }
0x37: {  	s26 =	sshra.s32 s26, $0x2;
	[sflag:s18] =	ssyncset.done $0x0  }
0x38: {  	s28 =	sadd.s32 $0x80, s26;
	[sflag:s18] =	ssyncadd.s32 $0xFFFFC180  }
0x39: {  	[tilespmem:s19], [sflag:$0x2] =	stream.indirect.gather [hbm4b:s4+s16], $0x80, s28, s16, $0xb8;
	[tilespmem:$0x1E800] =	vst v63  }
0x3a: {  	s28 =	sadd.s32 $0x1400, s26  }
0x3b: {  	[spmem:s2] =	stream.indirect.scatter.add.f32 [tilespmem:s17], [sflag:$0x3], $0x80, s28, s16, $0xb8;
	[tilespmem:$0x1E800] =	vst v63  }
0x3c: {  	_ =	swait.ge [sflag:s14], $0x3E80  }
0x3d: {  	[sflag:s14] =	ssyncset.done $0x0  }
0x3e: {  	[sflag:s14] =	ssyncadd.s32 $0xFFFFC180  }
0x3f: {  	_ =	swait.ge [sflag:s20], $0x3E80  }
0x40: {  	[sflag:s20] =	ssyncset.done $0x0  }
0x41: {  	s28 =	sadd.s32 $0x100, s26;
	[sflag:s20] =	ssyncadd.s32 $0xFFFFC180  }
0x42: {  	[tilespmem:s17], [sflag:$0x1] =	stream.indirect.gather [hbm4b:s4+s16], $0x80, s28, s16, $0xb8;
	[tilespmem:$0x1E800] =	vst v63  }
.Ltmp0:
0x43: {  	_ = 	snop;
	(pc) =	sbr.rel @p0 .LBB2_2-.Ltmp0, $4  }
0x44: {  	s26 =	sadd.s32 $0x1480, s26  }
0x45: {  	[spmem:s2] =	stream.indirect.scatter.add.f32 [tilespmem:s19], [sflag:$0x3], $0x80, s26, s16, $0xb8;
	[tilespmem:$0x1E800] =	vst v63  }
0x46: {  	_ =	swait.ge [sflag:s14], $0x3E80  }
0x47: {  	[sflag:s14] =	ssyncset.done $0x0  }
0x48: {  	[sflag:s14] =	ssyncadd.s32 $0xFFFFC180  }
0x49: {  	_ =	swait.ge [sflag:s18], $0x3E80  }
0x4a: {  	[sflag:s18] =	ssyncset.done $0x0  }
0x4b: {  	[sflag:s18] =	ssyncadd.s32 $0xFFFFC180  }
0x4c: {  	[tilespmem:s19], [sflag:$0x2] =	stream.indirect.gather [hbm4b:s4+s16], $0x80, s21, s16, $0xb8;
	[tilespmem:$0x1E800] =	vst v63  }
0x4d: {  	_ = 	snop  }
0x4e: {  	[spmem:s2] =	stream.indirect.scatter.add.f32 [tilespmem:s17], [sflag:$0x3], $0x80, s22, s16, $0xb8;
	[tilespmem:$0x1E800] =	vst v63  }
0x4f: {  	_ =	swait.ge [sflag:s14], $0x3E80  }
0x50: {  	[sflag:s14] =	ssyncset.done $0x0  }
0x51: {  	[sflag:s14] =	ssyncadd.s32 $0xFFFFC180  }
0x52: {  	_ =	swait.ge [sflag:s20], $0x3E80  }
0x53: {  	[sflag:s20] =	ssyncset.done $0x0  }
0x54: {  	[sflag:s20] =	ssyncadd.s32 $0xFFFFC180  }
0x55: {  	[spmem:s2] =	stream.indirect.scatter.add.f32 [tilespmem:s19], [sflag:$0x3], $0x80, s23, s16, $0xb8;
	[tilespmem:$0x1E800] =	vst v63  }
0x56: {  	_ =	swait.ge [sflag:s14], $0x3E80  }
0x57: {  	[sflag:s14] =	ssyncset.done $0x0  }
0x58: {  	s25 =	simm.s32 $0x0;
	[sflag:s14] =	ssyncadd.s32 $0xFFFFC180  }
0x59: {  	[tilespmem:s25], [sflag:$0x3] =	stream.linear.gather [hbm4b:s9+s25], $0x1400, $0x38;
	[tilespmem:$0x1E800] =	vst v63  }
0x5a: {  	_ =	swait.ge [sflag:s14], $0x1400  }
0x5b: {  	[sflag:s14] =	ssyncset.done $0x0  }
0x5c: {  	[sflag:s14] =	ssyncadd.s32 $0xFFFFEC00  }
0x5d: {  	[tilespmem:s15], [sflag:$0x3] =	stream.linear.gather [hbm4b:s10+s25], $0x1400, $0x38;
	[tilespmem:$0x1E800] =	vst v63  }
0x5e: {  	_ =	swait.ge [sflag:s14], $0x1400  }
0x5f: {  	[sflag:s14] =	ssyncset.done $0x0  }
0x60: {  	[sflag:s14] =	ssyncadd.s32 $0xFFFFEC00  }
0x61: {  	[tilespmem:s17], [sflag:$0x1] =	stream.indirect.gather [hbm4b:s4+s16], $0x80, s25, s16, $0xb8;
	[tilespmem:$0x1E800] =	vst v63  }
0x62: {  	_ =	swait.ge [sflag:s18], $0x3E80  }
0x63: {  	[sflag:s18] =	ssyncset.done $0x0  }
0x64: {  	s28 =	simm.s32 $0x80;
	[sflag:s18] =	ssyncadd.s32 $0xFFFFC180  }
0x65: {  	[tilespmem:s19], [sflag:$0x2] =	stream.indirect.gather [hbm4b:s4+s16], $0x80, s28, s16, $0xb8;
	[tilespmem:$0x1E800] =	vst v63  }
0x66: {  	s29 =	simm.s32 $0x1400  }
0x67: {  	[spmem:s2] =	stream.indirect.scatter.add.f32 [tilespmem:s17], [sflag:$0x3], $0x80, s29, s16, $0xb8;
	[tilespmem:$0x1E800] =	vst v63  }
0x68: {  	_ =	swait.ge [sflag:s14], $0x3E80  }
0x69: {  	[sflag:s14] =	ssyncset.done $0x0  }
0x6a: {  	[sflag:s14] =	ssyncadd.s32 $0xFFFFC180  }
0x6b: {  	_ =	swait.ge [sflag:s20], $0x3E80  }
0x6c: {  	[sflag:s20] =	ssyncset.done $0x0  }
0x6d: {  	s30 =	simm.s32 $0x100;
	[sflag:s20] =	ssyncadd.s32 $0xFFFFC180  }
0x6e: {  	[tilespmem:s17], [sflag:$0x1] =	stream.indirect.gather [hbm4b:s4+s16], $0x80, s30, s16, $0xb8;
	[tilespmem:$0x1E800] =	vst v63  }
0x6f: {  	s31 =	simm.s32 $0x1480  }
0x70: {  	[spmem:s2] =	stream.indirect.scatter.add.f32 [tilespmem:s19], [sflag:$0x3], $0x80, s31, s16, $0xb8;
	[tilespmem:$0x1E800] =	vst v63  }
0x71: {  	_ =	swait.ge [sflag:s14], $0x3E80  }
0x72: {  	s25 =	simm.s32 $0x400;
	[sflag:s14] =	ssyncset.done $0x0  }
.LBB2_4:
0x73: {  	p0 =	sne.s32 s25, $0x4800  }
0x74: {  	[sflag:s14] =	ssyncadd.s32 $0xFFFFC180;
	s26 =	smov.u32 s25;
	s25 =	sadd.s32 $0x400, s25  }
0x75: {  	_ = 	snop  }
0x76: {  	_ =	swait.ge [sflag:s18], $0x3E80  }
0x77: {  	s26 =	sshra.s32 s26, $0x2;
	[sflag:s18] =	ssyncset.done $0x0  }
0x78: {  	s28 =	sadd.s32 $0x80, s26;
	[sflag:s18] =	ssyncadd.s32 $0xFFFFC180  }
0x79: {  	[tilespmem:s19], [sflag:$0x2] =	stream.indirect.gather [hbm4b:s4+s16], $0x80, s28, s16, $0xb8;
	[tilespmem:$0x1E800] =	vst v63  }
0x7a: {  	s28 =	sadd.s32 $0x1400, s26  }
0x7b: {  	[spmem:s2] =	stream.indirect.scatter.add.f32 [tilespmem:s17], [sflag:$0x3], $0x80, s28, s16, $0xb8;
	[tilespmem:$0x1E800] =	vst v63  }
0x7c: {  	_ =	swait.ge [sflag:s14], $0x3E80  }
0x7d: {  	[sflag:s14] =	ssyncset.done $0x0  }
0x7e: {  	[sflag:s14] =	ssyncadd.s32 $0xFFFFC180  }
0x7f: {  	_ =	swait.ge [sflag:s20], $0x3E80  }
0x80: {  	[sflag:s20] =	ssyncset.done $0x0  }
0x81: {  	s28 =	sadd.s32 $0x100, s26;
	[sflag:s20] =	ssyncadd.s32 $0xFFFFC180  }
0x82: {  	[tilespmem:s17], [sflag:$0x1] =	stream.indirect.gather [hbm4b:s4+s16], $0x80, s28, s16, $0xb8;
	[tilespmem:$0x1E800] =	vst v63  }
.Ltmp1:
0x83: {  	_ = 	snop;
	(pc) =	sbr.rel @p0 .LBB2_4-.Ltmp1, $4  }
0x84: {  	s26 =	sadd.s32 $0x1480, s26  }
0x85: {  	[spmem:s2] =	stream.indirect.scatter.add.f32 [tilespmem:s19], [sflag:$0x3], $0x80, s26, s16, $0xb8;
	[tilespmem:$0x1E800] =	vst v63  }
0x86: {  	_ =	swait.ge [sflag:s14], $0x3E80  }
0x87: {  	[sflag:s14] =	ssyncset.done $0x0  }
0x88: {  	[sflag:s14] =	ssyncadd.s32 $0xFFFFC180  }
0x89: {  	_ =	swait.ge [sflag:s18], $0x3E80  }
0x8a: {  	[sflag:s18] =	ssyncset.done $0x0  }
0x8b: {  	[sflag:s18] =	ssyncadd.s32 $0xFFFFC180  }
0x8c: {  	[tilespmem:s19], [sflag:$0x2] =	stream.indirect.gather [hbm4b:s4+s16], $0x80, s21, s16, $0xb8;
	[tilespmem:$0x1E800] =	vst v63  }
0x8d: {  	_ = 	snop  }
0x8e: {  	[spmem:s2] =	stream.indirect.scatter.add.f32 [tilespmem:s17], [sflag:$0x3], $0x80, s22, s16, $0xb8;
	[tilespmem:$0x1E800] =	vst v63  }
0x8f: {  	_ =	swait.ge [sflag:s14], $0x3E80  }
0x90: {  	[sflag:s14] =	ssyncset.done $0x0  }
0x91: {  	[sflag:s14] =	ssyncadd.s32 $0xFFFFC180  }
0x92: {  	_ =	swait.ge [sflag:s20], $0x3E80  }
0x93: {  	[sflag:s20] =	ssyncset.done $0x0  }
0x94: {  	[sflag:s20] =	ssyncadd.s32 $0xFFFFC180  }
0x95: {  	[spmem:s2] =	stream.indirect.scatter.add.f32 [tilespmem:s19], [sflag:$0x3], $0x80, s23, s16, $0xb8;
	[tilespmem:$0x1E800] =	vst v63  }
0x96: {  	_ =	swait.ge [sflag:s14], $0x3E80  }
0x97: {  	s24 =	sadd.s32 $0x1, s24;
	[sflag:s14] =	ssyncset.done $0x0  }
0x98: {  	p0 =	sne.s32 s24, s12;
	[sflag:s14] =	ssyncadd.s32 $0xFFFFC180  }
.Ltmp2:
0x99: {  	[bflag:$0x0] =	sbarrier.arrive $0xFFFF;
	(pc) =	sbr.rel @p0 .LBB2_1-.Ltmp2, $4  }
0x9a: {  	[hbm:s11], [sflag:s6] =	dma.local [spmem:s13], $0x2800  }
0x9b: {  	_ =	swait.ge [sflag:s14], $0x2800  }
0x9c: {  	[sflag:s14] =	ssyncset.done $0x0  }
0x9d: {  	[sflag:s14] =	ssyncadd.s32 $0xFFFFD800  }
0x9e: {  	_ =	sfence.sel $0x180000  }
0x9f: {  	[bflag:$0x0] =	sbarrier.arrive $0xFFFF  }
0xa0: {  	p0 =	sne.s32 s1, $0x0;
	_ =	strace $0x9000004A  }
0xa1: {  	s0 =	sadd.s32 @!p0 $0x100000, s0;
	[bflag:$0x2] =	sbarrier.arrive $0xFFFF  }
0xa2: {  	[sflag:s0] =	ssyncadd.tile.s32 @!p0 $0x1;
	_ =	shalt  }
.Lfunc_end2:
_tile_overlayer_lowered:
.L_overlay_start_2:
0xa3: {  	(tag) =	ssettag $0x2  }
0xa4: {  	s0 =	rddreg [dreg:$0x0];
	s2 =	stileid.u32  }
0xa5: {  	s1 =	rddreg [dreg:$0x1];
	p0 =	sne.s32 s2, $0x0  }
0xa6: {  	s3 =	rddreg [dreg:$0x2];
	[bflag:$0x3] =	sbarrier.arrive $0xFFFF;
	s2 =	simm.s32 @!p0 $0x1C03  }
0xa7: {  	[timem:s3], [sflag:s2] =	dma.local @!p0 [hbm:s0], s1  }
0xa8: {  	s0 =	simm.s32 @!p0 $0x3  }
0xa9: {  	_ =	swait.ge @!p0 [sflag:s0], s1  }
0xaa: {  	s1 =	ssub.s32 @!p0 $0x0, s1;
	[sflag:s0] =	ssyncset.done @!p0 $0x0  }
0xab: {  	[sflag:s0] =	ssyncadd.s32 @!p0 s1  }
0xac: {  	[bflag:$0x3] =	sbarrier.arrive $0xFFFF  }
0xad: {  	_ =	shalt  }

</sc_bundles>
